<compile_context>
chip_gen: v7x
topology: tpu7x:2x2x1
jax: 0.10.2.dev20260603
libtpu: 0.0.44.dev20260713+nightly
codegen_flags: <defaults>
</compile_context>

<pallas_src>
import functools

import jax
import jax.numpy as jnp
from jax import lax
from jax.experimental import pallas as pl
from jax.experimental.pallas import tpu as pltpu
from jax.experimental.pallas import tpu_sc as plsc

NUM_SELECTS = 8
BT = 1024
NC = 2
NS = 16
NW = NC * NS
L = 16


def _mm_body(x_ref, wt_ref, out_ref):
    x_bf = x_ref[...].astype(jnp.bfloat16)
    out_ref[...] = jnp.dot(x_bf, wt_ref[...], preferred_element_type=jnp.float32)


def _matmul(x, wt):
    t, d = x.shape
    e = wt.shape[1]
    return pl.pallas_call(
        _mm_body,
        grid=(t // BT,),
        in_specs=[
            pl.BlockSpec((BT, d), lambda i: (i, 0)),
            pl.BlockSpec((d, e), lambda i: (0, 0)),
        ],
        out_specs=pl.BlockSpec((BT, e), lambda i: (i, 0)),
        out_shape=jax.ShapeDtypeStruct((t, e), jnp.float32),
        compiler_params=pltpu.CompilerParams(
            dimension_semantics=("arbitrary",),
        ),
    )(x, wt)


def _sc_topk(logits):
    t, e = logits.shape
    tw = t // NW
    mesh = plsc.VectorSubcoreMesh(
        core_axis_name="c", subcore_axis_name="s",
        num_cores=NC, num_subcores=NS)

    @functools.partial(
        pl.kernel,
        out_type=[
            jax.ShapeDtypeStruct((t * L,), jnp.int32),
            jax.ShapeDtypeStruct((t * L,), jnp.float32),
        ],
        mesh=mesh,
        scratch_types=[
            pltpu.VMEM((tw, e), jnp.float32),
            pltpu.VMEM((tw * L,), jnp.int32),
            pltpu.VMEM((tw * L,), jnp.float32),
        ],
        compiler_params=pltpu.CompilerParams(needs_layout_passes=False),
    )
    def k(logits_hbm, idx_hbm, sc_hbm, lbuf, ibuf, sbuf):
        wid = lax.axis_index("s") * NC + lax.axis_index("c")
        base = wid * tw
        pltpu.sync_copy(logits_hbm.at[pl.ds(base, tw)], lbuf)
        lane = lax.iota(jnp.int32, L)
        lo8 = lane < NUM_SELECTS

        def body(tok, carry):
            ks = []
            vs = []
            for q in range(e // L):
                key = lbuf[tok, pl.ds(q * L, L)]
                idxv = lane + (q * L)
                sk, sv = plsc.sort_key_val(key, idxv, descending=(q % 2 == 0))
                ks.append(sk)
                vs.append(sv)
            c01k = jnp.where(lo8, ks[0], ks[1])
            c01v = jnp.where(lo8, vs[0], vs[1])
            c23k = jnp.where(lo8, ks[2], ks[3])
            c23v = jnp.where(lo8, vs[2], vs[3])
            d01k, d01v = plsc.sort_key_val(c01k, c01v, descending=True)
            a23k, a23v = plsc.sort_key_val(c23k, c23v, descending=False)
            cfk = jnp.where(lo8, d01k, a23k)
            cfv = jnp.where(lo8, d01v, a23v)
            fk, fv = plsc.sort_key_val(cfk, cfv, descending=True)
            m = jnp.max(fk)
            ex = jnp.where(lo8, jnp.exp(fk - m), jnp.float32(0.0))
            total = jnp.zeros((L,), jnp.float32) + jnp.sum(ex)
            s = ex / total
            ibuf[pl.ds(tok * L, L)] = fv
            sbuf[pl.ds(tok * L, L)] = s
            return carry

        lax.fori_loop(0, tw, body, 0)
        pltpu.sync_copy(ibuf, idx_hbm.at[pl.ds(base * L, tw * L)])
        pltpu.sync_copy(sbuf, sc_hbm.at[pl.ds(base * L, tw * L)])

    return k(logits)


NCHUNK = 4


@jax.jit
def kernel(x, gate_weight):
    t, d = x.shape
    wt = gate_weight.T.astype(jnp.bfloat16)
    tc = t // NCHUNK
    parts = []
    for c in range(NCHUNK):
        logits = _matmul(jax.lax.slice_in_dim(x, c * tc, (c + 1) * tc), wt)
        parts.append(_sc_topk(logits))
    idx_p = jnp.concatenate([p[0] for p in parts])
    sc_p = jnp.concatenate([p[1] for p in parts])
    idx = idx_p.reshape(t, L)[:, :NUM_SELECTS]
    score = sc_p.reshape(t, L)[:, :NUM_SELECTS]
    return idx, score

# --- scband reference (transcript-rebuilt; emitter-appended) ---
"""Pipeline reference for scband-top-kbalanced-noisy-gate-28819230556397 (READ-ONLY COPY).

The authoritative reference and input builder live on the scoring server;
editing this copy changes nothing except your own understanding.
"""

import jax, jax.numpy as jnp
import numpy as np

NUM_EXPERTS = 64
NUM_SELECTS = 8
D_MODEL = 4096
NUM_TOKENS = 16384


def setup_inputs(seed: int = 0) -> dict:
    key = jax.random.key(seed)
    k1, k2 = jax.random.split(key)
    x = jax.random.normal(k1, (NUM_TOKENS, D_MODEL), dtype=jnp.float32)
    # nn.Linear(input_size, num_experts, bias=False) weight has shape [num_experts, input_size].
    # The torch module zero-inits it; we use small random values so top-k is non-degenerate.
    gate_weight = jax.random.normal(k2, (NUM_EXPERTS, D_MODEL), dtype=jnp.float32) * 0.02
    return {"x": x, "gate_weight": gate_weight}


def reference(x, gate_weight):
    # logits_gate = self.gate_network(x)  (linear, no bias)
    logits = x @ gate_weight.T  # [T, E]
    # eval path: logits = logits_gate (add_noise=False / not training)
    k = min(NUM_SELECTS + 1, NUM_EXPERTS)
    top_logits, top_indices = jax.lax.top_k(logits, k)  # sorted descending, like torch.topk
    top_k_logits = top_logits[:, :NUM_SELECTS]
    top_k_indices = top_indices[:, :NUM_SELECTS]
    top_k_scores = jax.nn.softmax(top_k_logits, axis=1)
    # gate_loss is None in eval / non-balance-noise path
    return (top_k_indices, top_k_scores)

if __name__ == "__main__":
    import jax
    _d = setup_inputs()
    print(jax.jit(kernel)(*tuple(_d.values())))

</pallas_src>

<mosaic_0001>
#map = affine_map<(d0, d1) -> (0, 0)>
#map1 = affine_map<(d0, d1) -> (0)>
module attributes {stable_mosaic.version = 14 : i64} {
  func.func @k(%arg0: i32, %arg1: i32, %arg2: memref<4096x64xf32, #tpu.memory_space<hbm>>, %arg3: memref<65536xi32, #tpu.memory_space<hbm>>, %arg4: memref<65536xf32, #tpu.memory_space<hbm>>, %arg5: memref<128x64xf32, #tpu.memory_space<vmem>>, %arg6: memref<2048xi32, #tpu.memory_space<vmem>>, %arg7: memref<2048xf32, #tpu.memory_space<vmem>>) attributes {dimension_semantics = [#tpu.dimension_semantics<core_parallel>, #tpu.dimension_semantics<subcore_parallel>], iteration_bounds = array<i64: 2, 16>, scalar_prefetch = 0 : i64, scratch_operands = 3 : i64, tpu.core_type = #tpu.core_type<sc_vector_subcore>, window_params = [{transform_indices = #map}, {transform_indices = #map1}, {transform_indices = #map1}]} {
    %mul3A = arith.constant 2 : i32
    %mul3A_0 = arith.muli %arg1, %mul3A : i32
    %add3A = arith.addi %mul3A_0, %arg0 : i32
    %mul3A_1 = arith.constant 128 : i32
    %mul3A_2 = arith.muli %add3A, %mul3A_1 : i32
    "tpu.region"() ({
      %run_scoped3A = tpu.sem_alloc : memref<!tpu.dma_semaphore, #tpu.memory_space<semaphore_mem>>
      %dma_start3A = arith.constant 0 : i32
      %dma_start3A_14 = tpu.memref_slice %arg2[%mul3A_2, %dma_start3A] : memref<4096x64xf32, #tpu.memory_space<hbm>> -> memref<128x64xf32, #tpu.memory_space<hbm>>
      %dma_start3A_15 = arith.constant 0 : i32
      %dma_start3A_16 = tpu.memref_slice %arg2[%mul3A_2, %dma_start3A_15] : memref<4096x64xf32, #tpu.memory_space<hbm>> -> memref<128x64xf32, #tpu.memory_space<hbm>>
      tpu.enqueue_dma source(%dma_start3A_16 : memref<128x64xf32, #tpu.memory_space<hbm>>) target(%arg5 : memref<128x64xf32, #tpu.memory_space<vmem>>) target_semaphore(%run_scoped3A : memref<!tpu.dma_semaphore, #tpu.memory_space<semaphore_mem>>)
      %dma_wait3A = arith.constant 0 : i32
      %dma_wait3A_17 = tpu.memref_slice %arg2[%mul3A_2, %dma_wait3A] : memref<4096x64xf32, #tpu.memory_space<hbm>> -> memref<128x64xf32, #tpu.memory_space<hbm>>
      %dma_wait3A_18 = arith.constant 0 : i32
      %dma_wait3A_19 = tpu.memref_slice %arg2[%mul3A_2, %dma_wait3A_18] : memref<4096x64xf32, #tpu.memory_space<hbm>> -> memref<128x64xf32, #tpu.memory_space<hbm>>
      tpu.wait_dma2 semaphore(%run_scoped3A : memref<!tpu.dma_semaphore, #tpu.memory_space<semaphore_mem>>) src(%dma_wait3A_19 : memref<128x64xf32, #tpu.memory_space<hbm>>) dst(%arg5 : memref<128x64xf32, #tpu.memory_space<vmem>>)
      tpu.yield
    }) : () -> ()
    %iota3A = tpu.iota {dimensions = array<i32: 0>} : vector<16xi32>
    %lt3A = arith.constant 8 : i32
    %lt3A_3 = vector.broadcast %lt3A : i32 to vector<16xi32>
    %lt3A_4 = arith.cmpi slt, %iota3A, %lt3A_3 : vector<16xi32>
    %scan3A = arith.constant 0 : i32
    %scan3A_5 = arith.constant 0 : i32
    %scan3A_6 = arith.constant 128 : i32
    %scan3A_7 = arith.addi %scan3A_5, %scan3A_6 : i32
    %scan3A_8 = arith.constant 1 : i32
    scf.for %scan3A_14 = %scan3A_5 to %scan3A_7 step %scan3A_8  : i32 {
      %get3A = arith.index_cast %scan3A_14 : i32 to index
      %get3A_15 = arith.constant 0 : index
      %get3A_16 = tpu.vector_load %arg5[%get3A, %get3A_15] {strides = array<i32>} : memref<128x64xf32, #tpu.memory_space<vmem>>, vector<16xf32>,
      %add3A_17 = arith.constant 0 : i32
      %add3A_18 = vector.broadcast %add3A_17 : i32 to vector<16xi32>
      %add3A_19 = arith.addi %iota3A, %add3A_18 : vector<16xi32>
      %masked_sort3A = arith.constant dense<true> : vector<16xi1>
      %masked_sort3A_20, %masked_sort3A_21, %masked_sort3A_22 = tpu.sort %get3A_16, %add3A_19 masked %masked_sort3A {descending = true} : (vector<16xf32>, vector<16xi32>, vector<16xi1>) -> (vector<16xi1>, vector<16xf32>, vector<16xi32>)
      %get3A_23 = arith.index_cast %scan3A_14 : i32 to index
      %get3A_24 = arith.constant 16 : index
      %get3A_25 = tpu.vector_load %arg5[%get3A_23, %get3A_24] {strides = array<i32>} : memref<128x64xf32, #tpu.memory_space<vmem>>, vector<16xf32>,
      %add3A_26 = arith.constant 16 : i32
      %add3A_27 = vector.broadcast %add3A_26 : i32 to vector<16xi32>
      %add3A_28 = arith.addi %iota3A, %add3A_27 : vector<16xi32>
      %masked_sort3A_29 = arith.constant dense<true> : vector<16xi1>
      %masked_sort3A_30, %masked_sort3A_31, %masked_sort3A_32 = tpu.sort %get3A_25, %add3A_28 masked %masked_sort3A_29 : (vector<16xf32>, vector<16xi32>, vector<16xi1>) -> (vector<16xi1>, vector<16xf32>, vector<16xi32>)
      %get3A_33 = arith.index_cast %scan3A_14 : i32 to index
      %get3A_34 = arith.constant 32 : index
      %get3A_35 = tpu.vector_load %arg5[%get3A_33, %get3A_34] {strides = array<i32>} : memref<128x64xf32, #tpu.memory_space<vmem>>, vector<16xf32>,
      %add3A_36 = arith.constant 32 : i32
      %add3A_37 = vector.broadcast %add3A_36 : i32 to vector<16xi32>
      %add3A_38 = arith.addi %iota3A, %add3A_37 : vector<16xi32>
      %masked_sort3A_39 = arith.constant dense<true> : vector<16xi1>
      %masked_sort3A_40, %masked_sort3A_41, %masked_sort3A_42 = tpu.sort %get3A_35, %add3A_38 masked %masked_sort3A_39 {descending = true} : (vector<16xf32>, vector<16xi32>, vector<16xi1>) -> (vector<16xi1>, vector<16xf32>, vector<16xi32>)
      %get3A_43 = arith.index_cast %scan3A_14 : i32 to index
      %get3A_44 = arith.constant 48 : index
      %get3A_45 = tpu.vector_load %arg5[%get3A_43, %get3A_44] {strides = array<i32>} : memref<128x64xf32, #tpu.memory_space<vmem>>, vector<16xf32>,
      %add3A_46 = arith.constant 48 : i32
      %add3A_47 = vector.broadcast %add3A_46 : i32 to vector<16xi32>
      %add3A_48 = arith.addi %iota3A, %add3A_47 : vector<16xi32>
      %masked_sort3A_49 = arith.constant dense<true> : vector<16xi1>
      %masked_sort3A_50, %masked_sort3A_51, %masked_sort3A_52 = tpu.sort %get3A_45, %add3A_48 masked %masked_sort3A_49 : (vector<16xf32>, vector<16xi32>, vector<16xi1>) -> (vector<16xi1>, vector<16xf32>, vector<16xi32>)
      %select_n3A = arith.select %lt3A_4, %masked_sort3A_21, %masked_sort3A_31 : vector<16xi1>, vector<16xf32>
      %select_n3A_53 = arith.select %lt3A_4, %masked_sort3A_22, %masked_sort3A_32 : vector<16xi1>, vector<16xi32>
      %select_n3A_54 = arith.select %lt3A_4, %masked_sort3A_41, %masked_sort3A_51 : vector<16xi1>, vector<16xf32>
      %select_n3A_55 = arith.select %lt3A_4, %masked_sort3A_42, %masked_sort3A_52 : vector<16xi1>, vector<16xi32>
      %masked_sort3A_56 = arith.constant dense<true> : vector<16xi1>
      %masked_sort3A_57, %masked_sort3A_58, %masked_sort3A_59 = tpu.sort %select_n3A, %select_n3A_53 masked %masked_sort3A_56 {descending = true} : (vector<16xf32>, vector<16xi32>, vector<16xi1>) -> (vector<16xi1>, vector<16xf32>, vector<16xi32>)
      %masked_sort3A_60 = arith.constant dense<true> : vector<16xi1>
      %masked_sort3A_61, %masked_sort3A_62, %masked_sort3A_63 = tpu.sort %select_n3A_54, %select_n3A_55 masked %masked_sort3A_60 : (vector<16xf32>, vector<16xi32>, vector<16xi1>) -> (vector<16xi1>, vector<16xf32>, vector<16xi32>)
      %select_n3A_64 = arith.select %lt3A_4, %masked_sort3A_58, %masked_sort3A_62 : vector<16xi1>, vector<16xf32>
      %select_n3A_65 = arith.select %lt3A_4, %masked_sort3A_59, %masked_sort3A_63 : vector<16xi1>, vector<16xi32>
      %masked_sort3A_66 = arith.constant dense<true> : vector<16xi1>
      %masked_sort3A_67, %masked_sort3A_68, %masked_sort3A_69 = tpu.sort %select_n3A_64, %select_n3A_65 masked %masked_sort3A_66 {descending = true} : (vector<16xf32>, vector<16xi32>, vector<16xi1>) -> (vector<16xi1>, vector<16xf32>, vector<16xi32>)
      %reduce_max3A = arith.constant true
      %reduce_max3A_70 = vector.broadcast %reduce_max3A : i1 to vector<16xi1>
      %reduce_max3A_71 = tpu.scan <max>, %masked_sort3A_68 masked %reduce_max3A_70 : vector<16xf32>, vector<16xi1> -> vector<16xf32>
      %reduce_max3A_72 = vector.extract %reduce_max3A_71[15] : f32 from vector<16xf32>
      %sub3A = vector.broadcast %reduce_max3A_72 : f32 to vector<16xf32>
      %sub3A_73 = arith.subf %masked_sort3A_68, %sub3A : vector<16xf32>
      %exp3A = math.exp %sub3A_73 : vector<16xf32>
      %jit3A = arith.constant 0.000000e+00 : f32
      %broadcast_in_dim3A = vector.broadcast %jit3A : f32 to vector<16xf32>
      %select_n3A_74 = arith.select %lt3A_4, %exp3A, %broadcast_in_dim3A : vector<16xi1>, vector<16xf32>
      %broadcast_in_dim3A_75 = arith.constant 0.000000e+00 : f32
      %broadcast_in_dim3A_76 = vector.broadcast %broadcast_in_dim3A_75 : f32 to vector<16xf32>
      %reduce_sum3A = arith.constant true
      %reduce_sum3A_77 = vector.broadcast %reduce_sum3A : i1 to vector<16xi1>
      %reduce_sum3A_78 = tpu.scan <sum>, %select_n3A_74 masked %reduce_sum3A_77 : vector<16xf32>, vector<16xi1> -> vector<16xf32>
      %reduce_sum3A_79 = vector.extract %reduce_sum3A_78[15] : f32 from vector<16xf32>
      %add3A_80 = vector.broadcast %reduce_sum3A_79 : f32 to vector<16xf32>
      %add3A_81 = arith.addf %broadcast_in_dim3A_76, %add3A_80 : vector<16xf32>
      %div3A = arith.divf %select_n3A_74, %add3A_81 : vector<16xf32>
      %mul3A_82 = arith.constant 16 : i32
      %mul3A_83 = arith.muli %scan3A_14, %mul3A_82 : i32
      %swap3A = arith.index_cast %mul3A_83 : i32 to index
      %swap3A_84 = tpu.vector_load %arg6[%swap3A] {strides = array<i32>} : memref<2048xi32, #tpu.memory_space<vmem>>, vector<16xi32>,
      tpu.vector_store %arg6[%swap3A], %masked_sort3A_69 {strides = array<i32>} : memref<2048xi32, #tpu.memory_space<vmem>>, vector<16xi32>,
      %mul3A_85 = arith.constant 16 : i32
      %mul3A_86 = arith.muli %scan3A_14, %mul3A_85 : i32
      %swap3A_87 = arith.index_cast %mul3A_86 : i32 to index
      %swap3A_88 = tpu.vector_load %arg7[%swap3A_87] {strides = array<i32>} : memref<2048xf32, #tpu.memory_space<vmem>>, vector<16xf32>,
      tpu.vector_store %arg7[%swap3A_87], %div3A {strides = array<i32>} : memref<2048xf32, #tpu.memory_space<vmem>>, vector<16xf32>,
    }
    %scan3A_9 = arith.constant 128 : i32
    %mul3A_10 = arith.constant 16 : i32
    %mul3A_11 = arith.muli %mul3A_2, %mul3A_10 : i32
    "tpu.region"() ({
      %run_scoped3A = tpu.sem_alloc : memref<!tpu.dma_semaphore, #tpu.memory_space<semaphore_mem>>
      %dma_start3A = tpu.memref_slice %arg3[%mul3A_11] : memref<65536xi32, #tpu.memory_space<hbm>> -> memref<2048xi32, #tpu.memory_space<hbm>>
      %dma_start3A_14 = tpu.memref_slice %arg3[%mul3A_11] : memref<65536xi32, #tpu.memory_space<hbm>> -> memref<2048xi32, #tpu.memory_space<hbm>>
      tpu.enqueue_dma source(%arg6 : memref<2048xi32, #tpu.memory_space<vmem>>) target(%dma_start3A_14 : memref<2048xi32, #tpu.memory_space<hbm>>) target_semaphore(%run_scoped3A : memref<!tpu.dma_semaphore, #tpu.memory_space<semaphore_mem>>)
      %dma_wait3A = tpu.memref_slice %arg3[%mul3A_11] : memref<65536xi32, #tpu.memory_space<hbm>> -> memref<2048xi32, #tpu.memory_space<hbm>>
      %dma_wait3A_15 = tpu.memref_slice %arg3[%mul3A_11] : memref<65536xi32, #tpu.memory_space<hbm>> -> memref<2048xi32, #tpu.memory_space<hbm>>
      tpu.wait_dma2 semaphore(%run_scoped3A : memref<!tpu.dma_semaphore, #tpu.memory_space<semaphore_mem>>) src(%arg6 : memref<2048xi32, #tpu.memory_space<vmem>>) dst(%dma_wait3A_15 : memref<2048xi32, #tpu.memory_space<hbm>>)
      tpu.yield
    }) : () -> ()
    %mul3A_12 = arith.constant 16 : i32
    %mul3A_13 = arith.muli %mul3A_2, %mul3A_12 : i32
    "tpu.region"() ({
      %run_scoped3A = tpu.sem_alloc : memref<!tpu.dma_semaphore, #tpu.memory_space<semaphore_mem>>
      %dma_start3A = tpu.memref_slice %arg4[%mul3A_13] : memref<65536xf32, #tpu.memory_space<hbm>> -> memref<2048xf32, #tpu.memory_space<hbm>>
      %dma_start3A_14 = tpu.memref_slice %arg4[%mul3A_13] : memref<65536xf32, #tpu.memory_space<hbm>> -> memref<2048xf32, #tpu.memory_space<hbm>>
      tpu.enqueue_dma source(%arg7 : memref<2048xf32, #tpu.memory_space<vmem>>) target(%dma_start3A_14 : memref<2048xf32, #tpu.memory_space<hbm>>) target_semaphore(%run_scoped3A : memref<!tpu.dma_semaphore, #tpu.memory_space<semaphore_mem>>)
      %dma_wait3A = tpu.memref_slice %arg4[%mul3A_13] : memref<65536xf32, #tpu.memory_space<hbm>> -> memref<2048xf32, #tpu.memory_space<hbm>>
      %dma_wait3A_15 = tpu.memref_slice %arg4[%mul3A_13] : memref<65536xf32, #tpu.memory_space<hbm>> -> memref<2048xf32, #tpu.memory_space<hbm>>
      tpu.wait_dma2 semaphore(%run_scoped3A : memref<!tpu.dma_semaphore, #tpu.memory_space<semaphore_mem>>) src(%arg7 : memref<2048xf32, #tpu.memory_space<vmem>>) dst(%dma_wait3A_15 : memref<2048xf32, #tpu.memory_space<hbm>>)
      tpu.yield
    }) : () -> ()
    return
  }
}

#map = affine_map<(d0, d1) -> (0, 0)>
#map1 = affine_map<(d0, d1) -> (0)>
module attributes {stable_mosaic.version = 14 : i64} {
  func.func @k(%arg0: i32, %arg1: i32, %arg2: memref<4096x64xf32, #tpu.memory_space<hbm>>, %arg3: memref<65536xi32, #tpu.memory_space<hbm>>, %arg4: memref<65536xf32, #tpu.memory_space<hbm>>, %arg5: memref<128x64xf32, #tpu.memory_space<vmem>>, %arg6: memref<2048xi32, #tpu.memory_space<vmem>>, %arg7: memref<2048xf32, #tpu.memory_space<vmem>>) attributes {dimension_semantics = [#tpu.dimension_semantics<core_parallel>, #tpu.dimension_semantics<subcore_parallel>], iteration_bounds = array<i64: 2, 16>, scalar_prefetch = 0 : i64, scratch_operands = 3 : i64, tpu.core_type = #tpu.core_type<sc_vector_subcore>, window_params = [{transform_indices = #map}, {transform_indices = #map1}, {transform_indices = #map1}]} {
    %mul3A = arith.constant 2 : i32
    %mul3A_0 = arith.muli %arg1, %mul3A : i32
    %add3A = arith.addi %mul3A_0, %arg0 : i32
    %mul3A_1 = arith.constant 128 : i32
    %mul3A_2 = arith.muli %add3A, %mul3A_1 : i32
    "tpu.region"() ({
      %run_scoped3A = tpu.sem_alloc : memref<!tpu.dma_semaphore, #tpu.memory_space<semaphore_mem>>
      %dma_start3A = arith.constant 0 : i32
      %dma_start3A_14 = tpu.memref_slice %arg2[%mul3A_2, %dma_start3A] : memref<4096x64xf32, #tpu.memory_space<hbm>> -> memref<128x64xf32, #tpu.memory_space<hbm>>
      %dma_start3A_15 = arith.constant 0 : i32
      %dma_start3A_16 = tpu.memref_slice %arg2[%mul3A_2, %dma_start3A_15] : memref<4096x64xf32, #tpu.memory_space<hbm>> -> memref<128x64xf32, #tpu.memory_space<hbm>>
      tpu.enqueue_dma source(%dma_start3A_16 : memref<128x64xf32, #tpu.memory_space<hbm>>) target(%arg5 : memref<128x64xf32, #tpu.memory_space<vmem>>) target_semaphore(%run_scoped3A : memref<!tpu.dma_semaphore, #tpu.memory_space<semaphore_mem>>)
      %dma_wait3A = arith.constant 0 : i32
      %dma_wait3A_17 = tpu.memref_slice %arg2[%mul3A_2, %dma_wait3A] : memref<4096x64xf32, #tpu.memory_space<hbm>> -> memref<128x64xf32, #tpu.memory_space<hbm>>
      %dma_wait3A_18 = arith.constant 0 : i32
      %dma_wait3A_19 = tpu.memref_slice %arg2[%mul3A_2, %dma_wait3A_18] : memref<4096x64xf32, #tpu.memory_space<hbm>> -> memref<128x64xf32, #tpu.memory_space<hbm>>
      tpu.wait_dma2 semaphore(%run_scoped3A : memref<!tpu.dma_semaphore, #tpu.memory_space<semaphore_mem>>) src(%dma_wait3A_19 : memref<128x64xf32, #tpu.memory_space<hbm>>) dst(%arg5 : memref<128x64xf32, #tpu.memory_space<vmem>>)
      tpu.yield
    }) : () -> ()
    %iota3A = tpu.iota {dimensions = array<i32: 0>} : vector<16xi32>
    %lt3A = arith.constant 8 : i32
    %lt3A_3 = vector.broadcast %lt3A : i32 to vector<16xi32>
    %lt3A_4 = arith.cmpi slt, %iota3A, %lt3A_3 : vector<16xi32>
    %scan3A = arith.constant 0 : i32
    %scan3A_5 = arith.constant 0 : i32
    %scan3A_6 = arith.constant 128 : i32
    %scan3A_7 = arith.addi %scan3A_5, %scan3A_6 : i32
    %scan3A_8 = arith.constant 1 : i32
    scf.for %scan3A_14 = %scan3A_5 to %scan3A_7 step %scan3A_8  : i32 {
      %get3A = arith.index_cast %scan3A_14 : i32 to index
      %get3A_15 = arith.constant 0 : index
      %get3A_16 = tpu.vector_load %arg5[%get3A, %get3A_15] {strides = array<i32>} : memref<128x64xf32, #tpu.memory_space<vmem>>, vector<16xf32>,
      %add3A_17 = arith.constant 0 : i32
      %add3A_18 = vector.broadcast %add3A_17 : i32 to vector<16xi32>
      %add3A_19 = arith.addi %iota3A, %add3A_18 : vector<16xi32>
      %masked_sort3A = arith.constant dense<true> : vector<16xi1>
      %masked_sort3A_20, %masked_sort3A_21, %masked_sort3A_22 = tpu.sort %get3A_16, %add3A_19 masked %masked_sort3A {descending = true} : (vector<16xf32>, vector<16xi32>, vector<16xi1>) -> (vector<16xi1>, vector<16xf32>, vector<16xi32>)
      %get3A_23 = arith.index_cast %scan3A_14 : i32 to index
      %get3A_24 = arith.constant 16 : index
      %get3A_25 = tpu.vector_load %arg5[%get3A_23, %get3A_24] {strides = array<i32>} : memref<128x64xf32, #tpu.memory_space<vmem>>, vector<16xf32>,
      %add3A_26 = arith.constant 16 : i32
      %add3A_27 = vector.broadcast %add3A_26 : i32 to vector<16xi32>
      %add3A_28 = arith.addi %iota3A, %add3A_27 : vector<16xi32>
      %masked_sort3A_29 = arith.constant dense<true> : vector<16xi1>
      %masked_sort3A_30, %masked_sort3A_31, %masked_sort3A_32 = tpu.sort %get3A_25, %add3A_28 masked %masked_sort3A_29 : (vector<16xf32>, vector<16xi32>, vector<16xi1>) -> (vector<16xi1>, vector<16xf32>, vector<16xi32>)
      %get3A_33 = arith.index_cast %scan3A_14 : i32 to index
      %get3A_34 = arith.constant 32 : index
      %get3A_35 = tpu.vector_load %arg5[%get3A_33, %get3A_34] {strides = array<i32>} : memref<128x64xf32, #tpu.memory_space<vmem>>, vector<16xf32>,
      %add3A_36 = arith.constant 32 : i32
      %add3A_37 = vector.broadcast %add3A_36 : i32 to vector<16xi32>
      %add3A_38 = arith.addi %iota3A, %add3A_37 : vector<16xi32>
      %masked_sort3A_39 = arith.constant dense<true> : vector<16xi1>
      %masked_sort3A_40, %masked_sort3A_41, %masked_sort3A_42 = tpu.sort %get3A_35, %add3A_38 masked %masked_sort3A_39 {descending = true} : (vector<16xf32>, vector<16xi32>, vector<16xi1>) -> (vector<16xi1>, vector<16xf32>, vector<16xi32>)
      %get3A_43 = arith.index_cast %scan3A_14 : i32 to index
      %get3A_44 = arith.constant 48 : index
      %get3A_45 = tpu.vector_load %arg5[%get3A_43, %get3A_44] {strides = array<i32>} : memref<128x64xf32, #tpu.memory_space<vmem>>, vector<16xf32>,
      %add3A_46 = arith.constant 48 : i32
      %add3A_47 = vector.broadcast %add3A_46 : i32 to vector<16xi32>
      %add3A_48 = arith.addi %iota3A, %add3A_47 : vector<16xi32>
      %masked_sort3A_49 = arith.constant dense<true> : vector<16xi1>
      %masked_sort3A_50, %masked_sort3A_51, %masked_sort3A_52 = tpu.sort %get3A_45, %add3A_48 masked %masked_sort3A_49 : (vector<16xf32>, vector<16xi32>, vector<16xi1>) -> (vector<16xi1>, vector<16xf32>, vector<16xi32>)
      %select_n3A = arith.select %lt3A_4, %masked_sort3A_21, %masked_sort3A_31 : vector<16xi1>, vector<16xf32>
      %select_n3A_53 = arith.select %lt3A_4, %masked_sort3A_22, %masked_sort3A_32 : vector<16xi1>, vector<16xi32>
      %select_n3A_54 = arith.select %lt3A_4, %masked_sort3A_41, %masked_sort3A_51 : vector<16xi1>, vector<16xf32>
      %select_n3A_55 = arith.select %lt3A_4, %masked_sort3A_42, %masked_sort3A_52 : vector<16xi1>, vector<16xi32>
      %masked_sort3A_56 = arith.constant dense<true> : vector<16xi1>
      %masked_sort3A_57, %masked_sort3A_58, %masked_sort3A_59 = tpu.sort %select_n3A, %select_n3A_53 masked %masked_sort3A_56 {descending = true} : (vector<16xf32>, vector<16xi32>, vector<16xi1>) -> (vector<16xi1>, vector<16xf32>, vector<16xi32>)
      %masked_sort3A_60 = arith.constant dense<true> : vector<16xi1>
      %masked_sort3A_61, %masked_sort3A_62, %masked_sort3A_63 = tpu.sort %select_n3A_54, %select_n3A_55 masked %masked_sort3A_60 : (vector<16xf32>, vector<16xi32>, vector<16xi1>) -> (vector<16xi1>, vector<16xf32>, vector<16xi32>)
      %select_n3A_64 = arith.select %lt3A_4, %masked_sort3A_58, %masked_sort3A_62 : vector<16xi1>, vector<16xf32>
      %select_n3A_65 = arith.select %lt3A_4, %masked_sort3A_59, %masked_sort3A_63 : vector<16xi1>, vector<16xi32>
      %masked_sort3A_66 = arith.constant dense<true> : vector<16xi1>
      %masked_sort3A_67, %masked_sort3A_68, %masked_sort3A_69 = tpu.sort %select_n3A_64, %select_n3A_65 masked %masked_sort3A_66 {descending = true} : (vector<16xf32>, vector<16xi32>, vector<16xi1>) -> (vector<16xi1>, vector<16xf32>, vector<16xi32>)
      %reduce_max3A = arith.constant true
      %reduce_max3A_70 = vector.broadcast %reduce_max3A : i1 to vector<16xi1>
      %reduce_max3A_71 = tpu.scan <max>, %masked_sort3A_68 masked %reduce_max3A_70 : vector<16xf32>, vector<16xi1> -> vector<16xf32>
      %reduce_max3A_72 = vector.extract %reduce_max3A_71[15] : f32 from vector<16xf32>
      %sub3A = vector.broadcast %reduce_max3A_72 : f32 to vector<16xf32>
      %sub3A_73 = arith.subf %masked_sort3A_68, %sub3A : vector<16xf32>
      %exp3A = math.exp %sub3A_73 : vector<16xf32>
      %jit3A = arith.constant 0.000000e+00 : f32
      %broadcast_in_dim3A = vector.broadcast %jit3A : f32 to vector<16xf32>
      %select_n3A_74 = arith.select %lt3A_4, %exp3A, %broadcast_in_dim3A : vector<16xi1>, vector<16xf32>
      %broadcast_in_dim3A_75 = arith.constant 0.000000e+00 : f32
      %broadcast_in_dim3A_76 = vector.broadcast %broadcast_in_dim3A_75 : f32 to vector<16xf32>
      %reduce_sum3A = arith.constant true
      %reduce_sum3A_77 = vector.broadcast %reduce_sum3A : i1 to vector<16xi1>
      %reduce_sum3A_78 = tpu.scan <sum>, %select_n3A_74 masked %reduce_sum3A_77 : vector<16xf32>, vector<16xi1> -> vector<16xf32>
      %reduce_sum3A_79 = vector.extract %reduce_sum3A_78[15] : f32 from vector<16xf32>
      %add3A_80 = vector.broadcast %reduce_sum3A_79 : f32 to vector<16xf32>
      %add3A_81 = arith.addf %broadcast_in_dim3A_76, %add3A_80 : vector<16xf32>
      %div3A = arith.divf %select_n3A_74, %add3A_81 : vector<16xf32>
      %mul3A_82 = arith.constant 16 : i32
      %mul3A_83 = arith.muli %scan3A_14, %mul3A_82 : i32
      %swap3A = arith.index_cast %mul3A_83 : i32 to index
      %swap3A_84 = tpu.vector_load %arg6[%swap3A] {strides = array<i32>} : memref<2048xi32, #tpu.memory_space<vmem>>, vector<16xi32>,
      tpu.vector_store %arg6[%swap3A], %masked_sort3A_69 {strides = array<i32>} : memref<2048xi32, #tpu.memory_space<vmem>>, vector<16xi32>,
      %mul3A_85 = arith.constant 16 : i32
      %mul3A_86 = arith.muli %scan3A_14, %mul3A_85 : i32
      %swap3A_87 = arith.index_cast %mul3A_86 : i32 to index
      %swap3A_88 = tpu.vector_load %arg7[%swap3A_87] {strides = array<i32>} : memref<2048xf32, #tpu.memory_space<vmem>>, vector<16xf32>,
      tpu.vector_store %arg7[%swap3A_87], %div3A {strides = array<i32>} : memref<2048xf32, #tpu.memory_space<vmem>>, vector<16xf32>,
    }
    %scan3A_9 = arith.constant 128 : i32
    %mul3A_10 = arith.constant 16 : i32
    %mul3A_11 = arith.muli %mul3A_2, %mul3A_10 : i32
    "tpu.region"() ({
      %run_scoped3A = tpu.sem_alloc : memref<!tpu.dma_semaphore, #tpu.memory_space<semaphore_mem>>
      %dma_start3A = tpu.memref_slice %arg3[%mul3A_11] : memref<65536xi32, #tpu.memory_space<hbm>> -> memref<2048xi32, #tpu.memory_space<hbm>>
      %dma_start3A_14 = tpu.memref_slice %arg3[%mul3A_11] : memref<65536xi32, #tpu.memory_space<hbm>> -> memref<2048xi32, #tpu.memory_space<hbm>>
      tpu.enqueue_dma source(%arg6 : memref<2048xi32, #tpu.memory_space<vmem>>) target(%dma_start3A_14 : memref<2048xi32, #tpu.memory_space<hbm>>) target_semaphore(%run_scoped3A : memref<!tpu.dma_semaphore, #tpu.memory_space<semaphore_mem>>)
      %dma_wait3A = tpu.memref_slice %arg3[%mul3A_11] : memref<65536xi32, #tpu.memory_space<hbm>> -> memref<2048xi32, #tpu.memory_space<hbm>>
      %dma_wait3A_15 = tpu.memref_slice %arg3[%mul3A_11] : memref<65536xi32, #tpu.memory_space<hbm>> -> memref<2048xi32, #tpu.memory_space<hbm>>
      tpu.wait_dma2 semaphore(%run_scoped3A : memref<!tpu.dma_semaphore, #tpu.memory_space<semaphore_mem>>) src(%arg6 : memref<2048xi32, #tpu.memory_space<vmem>>) dst(%dma_wait3A_15 : memref<2048xi32, #tpu.memory_space<hbm>>)
      tpu.yield
    }) : () -> ()
    %mul3A_12 = arith.constant 16 : i32
    %mul3A_13 = arith.muli %mul3A_2, %mul3A_12 : i32
    "tpu.region"() ({
      %run_scoped3A = tpu.sem_alloc : memref<!tpu.dma_semaphore, #tpu.memory_space<semaphore_mem>>
      %dma_start3A = tpu.memref_slice %arg4[%mul3A_13] : memref<65536xf32, #tpu.memory_space<hbm>> -> memref<2048xf32, #tpu.memory_space<hbm>>
      %dma_start3A_14 = tpu.memref_slice %arg4[%mul3A_13] : memref<65536xf32, #tpu.memory_space<hbm>> -> memref<2048xf32, #tpu.memory_space<hbm>>
      tpu.enqueue_dma source(%arg7 : memref<2048xf32, #tpu.memory_space<vmem>>) target(%dma_start3A_14 : memref<2048xf32, #tpu.memory_space<hbm>>) target_semaphore(%run_scoped3A : memref<!tpu.dma_semaphore, #tpu.memory_space<semaphore_mem>>)
      %dma_wait3A = tpu.memref_slice %arg4[%mul3A_13] : memref<65536xf32, #tpu.memory_space<hbm>> -> memref<2048xf32, #tpu.memory_space<hbm>>
      %dma_wait3A_15 = tpu.memref_slice %arg4[%mul3A_13] : memref<65536xf32, #tpu.memory_space<hbm>> -> memref<2048xf32, #tpu.memory_space<hbm>>
      tpu.wait_dma2 semaphore(%run_scoped3A : memref<!tpu.dma_semaphore, #tpu.memory_space<semaphore_mem>>) src(%arg7 : memref<2048xf32, #tpu.memory_space<vmem>>) dst(%dma_wait3A_15 : memref<2048xf32, #tpu.memory_space<hbm>>)
      tpu.yield
    }) : () -> ()
    return
  }
}

#map = affine_map<(d0, d1) -> (0, 0)>
#map1 = affine_map<(d0, d1) -> (0)>
module attributes {stable_mosaic.version = 14 : i64} {
  func.func @k(%arg0: i32, %arg1: i32, %arg2: memref<4096x64xf32, #tpu.memory_space<hbm>>, %arg3: memref<65536xi32, #tpu.memory_space<hbm>>, %arg4: memref<65536xf32, #tpu.memory_space<hbm>>, %arg5: memref<128x64xf32, #tpu.memory_space<vmem>>, %arg6: memref<2048xi32, #tpu.memory_space<vmem>>, %arg7: memref<2048xf32, #tpu.memory_space<vmem>>) attributes {dimension_semantics = [#tpu.dimension_semantics<core_parallel>, #tpu.dimension_semantics<subcore_parallel>], iteration_bounds = array<i64: 2, 16>, scalar_prefetch = 0 : i64, scratch_operands = 3 : i64, tpu.core_type = #tpu.core_type<sc_vector_subcore>, window_params = [{transform_indices = #map}, {transform_indices = #map1}, {transform_indices = #map1}]} {
    %mul3A = arith.constant 2 : i32
    %mul3A_0 = arith.muli %arg1, %mul3A : i32
    %add3A = arith.addi %mul3A_0, %arg0 : i32
    %mul3A_1 = arith.constant 128 : i32
    %mul3A_2 = arith.muli %add3A, %mul3A_1 : i32
    "tpu.region"() ({
      %run_scoped3A = tpu.sem_alloc : memref<!tpu.dma_semaphore, #tpu.memory_space<semaphore_mem>>
      %dma_start3A = arith.constant 0 : i32
      %dma_start3A_14 = tpu.memref_slice %arg2[%mul3A_2, %dma_start3A] : memref<4096x64xf32, #tpu.memory_space<hbm>> -> memref<128x64xf32, #tpu.memory_space<hbm>>
      %dma_start3A_15 = arith.constant 0 : i32
      %dma_start3A_16 = tpu.memref_slice %arg2[%mul3A_2, %dma_start3A_15] : memref<4096x64xf32, #tpu.memory_space<hbm>> -> memref<128x64xf32, #tpu.memory_space<hbm>>
      tpu.enqueue_dma source(%dma_start3A_16 : memref<128x64xf32, #tpu.memory_space<hbm>>) target(%arg5 : memref<128x64xf32, #tpu.memory_space<vmem>>) target_semaphore(%run_scoped3A : memref<!tpu.dma_semaphore, #tpu.memory_space<semaphore_mem>>)
      %dma_wait3A = arith.constant 0 : i32
      %dma_wait3A_17 = tpu.memref_slice %arg2[%mul3A_2, %dma_wait3A] : memref<4096x64xf32, #tpu.memory_space<hbm>> -> memref<128x64xf32, #tpu.memory_space<hbm>>
      %dma_wait3A_18 = arith.constant 0 : i32
      %dma_wait3A_19 = tpu.memref_slice %arg2[%mul3A_2, %dma_wait3A_18] : memref<4096x64xf32, #tpu.memory_space<hbm>> -> memref<128x64xf32, #tpu.memory_space<hbm>>
      tpu.wait_dma2 semaphore(%run_scoped3A : memref<!tpu.dma_semaphore, #tpu.memory_space<semaphore_mem>>) src(%dma_wait3A_19 : memref<128x64xf32, #tpu.memory_space<hbm>>) dst(%arg5 : memref<128x64xf32, #tpu.memory_space<vmem>>)
      tpu.yield
    }) : () -> ()
    %iota3A = tpu.iota {dimensions = array<i32: 0>} : vector<16xi32>
    %lt3A = arith.constant 8 : i32
    %lt3A_3 = vector.broadcast %lt3A : i32 to vector<16xi32>
    %lt3A_4 = arith.cmpi slt, %iota3A, %lt3A_3 : vector<16xi32>
    %scan3A = arith.constant 0 : i32
    %scan3A_5 = arith.constant 0 : i32
    %scan3A_6 = arith.constant 128 : i32
    %scan3A_7 = arith.addi %scan3A_5, %scan3A_6 : i32
    %scan3A_8 = arith.constant 1 : i32
    scf.for %scan3A_14 = %scan3A_5 to %scan3A_7 step %scan3A_8  : i32 {
      %get3A = arith.index_cast %scan3A_14 : i32 to index
      %get3A_15 = arith.constant 0 : index
      %get3A_16 = tpu.vector_load %arg5[%get3A, %get3A_15] {strides = array<i32>} : memref<128x64xf32, #tpu.memory_space<vmem>>, vector<16xf32>,
      %add3A_17 = arith.constant 0 : i32
      %add3A_18 = vector.broadcast %add3A_17 : i32 to vector<16xi32>
      %add3A_19 = arith.addi %iota3A, %add3A_18 : vector<16xi32>
      %masked_sort3A = arith.constant dense<true> : vector<16xi1>
      %masked_sort3A_20, %masked_sort3A_21, %masked_sort3A_22 = tpu.sort %get3A_16, %add3A_19 masked %masked_sort3A {descending = true} : (vector<16xf32>, vector<16xi32>, vector<16xi1>) -> (vector<16xi1>, vector<16xf32>, vector<16xi32>)
      %get3A_23 = arith.index_cast %scan3A_14 : i32 to index
      %get3A_24 = arith.constant 16 : index
      %get3A_25 = tpu.vector_load %arg5[%get3A_23, %get3A_24] {strides = array<i32>} : memref<128x64xf32, #tpu.memory_space<vmem>>, vector<16xf32>,
      %add3A_26 = arith.constant 16 : i32
      %add3A_27 = vector.broadcast %add3A_26 : i32 to vector<16xi32>
      %add3A_28 = arith.addi %iota3A, %add3A_27 : vector<16xi32>
      %masked_sort3A_29 = arith.constant dense<true> : vector<16xi1>
      %masked_sort3A_30, %masked_sort3A_31, %masked_sort3A_32 = tpu.sort %get3A_25, %add3A_28 masked %masked_sort3A_29 : (vector<16xf32>, vector<16xi32>, vector<16xi1>) -> (vector<16xi1>, vector<16xf32>, vector<16xi32>)
      %get3A_33 = arith.index_cast %scan3A_14 : i32 to index
      %get3A_34 = arith.constant 32 : index
      %get3A_35 = tpu.vector_load %arg5[%get3A_33, %get3A_34] {strides = array<i32>} : memref<128x64xf32, #tpu.memory_space<vmem>>, vector<16xf32>,
      %add3A_36 = arith.constant 32 : i32
      %add3A_37 = vector.broadcast %add3A_36 : i32 to vector<16xi32>
      %add3A_38 = arith.addi %iota3A, %add3A_37 : vector<16xi32>
      %masked_sort3A_39 = arith.constant dense<true> : vector<16xi1>
      %masked_sort3A_40, %masked_sort3A_41, %masked_sort3A_42 = tpu.sort %get3A_35, %add3A_38 masked %masked_sort3A_39 {descending = true} : (vector<16xf32>, vector<16xi32>, vector<16xi1>) -> (vector<16xi1>, vector<16xf32>, vector<16xi32>)
      %get3A_43 = arith.index_cast %scan3A_14 : i32 to index
      %get3A_44 = arith.constant 48 : index
      %get3A_45 = tpu.vector_load %arg5[%get3A_43, %get3A_44] {strides = array<i32>} : memref<128x64xf32, #tpu.memory_space<vmem>>, vector<16xf32>,
      %add3A_46 = arith.constant 48 : i32
      %add3A_47 = vector.broadcast %add3A_46 : i32 to vector<16xi32>
      %add3A_48 = arith.addi %iota3A, %add3A_47 : vector<16xi32>
      %masked_sort3A_49 = arith.constant dense<true> : vector<16xi1>
      %masked_sort3A_50, %masked_sort3A_51, %masked_sort3A_52 = tpu.sort %get3A_45, %add3A_48 masked %masked_sort3A_49 : (vector<16xf32>, vector<16xi32>, vector<16xi1>) -> (vector<16xi1>, vector<16xf32>, vector<16xi32>)
      %select_n3A = arith.select %lt3A_4, %masked_sort3A_21, %masked_sort3A_31 : vector<16xi1>, vector<16xf32>
      %select_n3A_53 = arith.select %lt3A_4, %masked_sort3A_22, %masked_sort3A_32 : vector<16xi1>, vector<16xi32>
      %select_n3A_54 = arith.select %lt3A_4, %masked_sort3A_41, %masked_sort3A_51 : vector<16xi1>, vector<16xf32>
      %select_n3A_55 = arith.select %lt3A_4, %masked_sort3A_42, %masked_sort3A_52 : vector<16xi1>, vector<16xi32>
      %masked_sort3A_56 = arith.constant dense<true> : vector<16xi1>
      %masked_sort3A_57, %masked_sort3A_58, %masked_sort3A_59 = tpu.sort %select_n3A, %select_n3A_53 masked %masked_sort3A_56 {descending = true} : (vector<16xf32>, vector<16xi32>, vector<16xi1>) -> (vector<16xi1>, vector<16xf32>, vector<16xi32>)
      %masked_sort3A_60 = arith.constant dense<true> : vector<16xi1>
      %masked_sort3A_61, %masked_sort3A_62, %masked_sort3A_63 = tpu.sort %select_n3A_54, %select_n3A_55 masked %masked_sort3A_60 : (vector<16xf32>, vector<16xi32>, vector<16xi1>) -> (vector<16xi1>, vector<16xf32>, vector<16xi32>)
      %select_n3A_64 = arith.select %lt3A_4, %masked_sort3A_58, %masked_sort3A_62 : vector<16xi1>, vector<16xf32>
      %select_n3A_65 = arith.select %lt3A_4, %masked_sort3A_59, %masked_sort3A_63 : vector<16xi1>, vector<16xi32>
      %masked_sort3A_66 = arith.constant dense<true> : vector<16xi1>
      %masked_sort3A_67, %masked_sort3A_68, %masked_sort3A_69 = tpu.sort %select_n3A_64, %select_n3A_65 masked %masked_sort3A_66 {descending = true} : (vector<16xf32>, vector<16xi32>, vector<16xi1>) -> (vector<16xi1>, vector<16xf32>, vector<16xi32>)
      %reduce_max3A = arith.constant true
      %reduce_max3A_70 = vector.broadcast %reduce_max3A : i1 to vector<16xi1>
      %reduce_max3A_71 = tpu.scan <max>, %masked_sort3A_68 masked %reduce_max3A_70 : vector<16xf32>, vector<16xi1> -> vector<16xf32>
      %reduce_max3A_72 = vector.extract %reduce_max3A_71[15] : f32 from vector<16xf32>
      %sub3A = vector.broadcast %reduce_max3A_72 : f32 to vector<16xf32>
      %sub3A_73 = arith.subf %masked_sort3A_68, %sub3A : vector<16xf32>
      %exp3A = math.exp %sub3A_73 : vector<16xf32>
      %jit3A = arith.constant 0.000000e+00 : f32
      %broadcast_in_dim3A = vector.broadcast %jit3A : f32 to vector<16xf32>
      %select_n3A_74 = arith.select %lt3A_4, %exp3A, %broadcast_in_dim3A : vector<16xi1>, vector<16xf32>
      %broadcast_in_dim3A_75 = arith.constant 0.000000e+00 : f32
      %broadcast_in_dim3A_76 = vector.broadcast %broadcast_in_dim3A_75 : f32 to vector<16xf32>
      %reduce_sum3A = arith.constant true
      %reduce_sum3A_77 = vector.broadcast %reduce_sum3A : i1 to vector<16xi1>
      %reduce_sum3A_78 = tpu.scan <sum>, %select_n3A_74 masked %reduce_sum3A_77 : vector<16xf32>, vector<16xi1> -> vector<16xf32>
      %reduce_sum3A_79 = vector.extract %reduce_sum3A_78[15] : f32 from vector<16xf32>
      %add3A_80 = vector.broadcast %reduce_sum3A_79 : f32 to vector<16xf32>
      %add3A_81 = arith.addf %broadcast_in_dim3A_76, %add3A_80 : vector<16xf32>
      %div3A = arith.divf %select_n3A_74, %add3A_81 : vector<16xf32>
      %mul3A_82 = arith.constant 16 : i32
      %mul3A_83 = arith.muli %scan3A_14, %mul3A_82 : i32
      %swap3A = arith.index_cast %mul3A_83 : i32 to index
      %swap3A_84 = tpu.vector_load %arg6[%swap3A] {strides = array<i32>} : memref<2048xi32, #tpu.memory_space<vmem>>, vector<16xi32>,
      tpu.vector_store %arg6[%swap3A], %masked_sort3A_69 {strides = array<i32>} : memref<2048xi32, #tpu.memory_space<vmem>>, vector<16xi32>,
      %mul3A_85 = arith.constant 16 : i32
      %mul3A_86 = arith.muli %scan3A_14, %mul3A_85 : i32
      %swap3A_87 = arith.index_cast %mul3A_86 : i32 to index
      %swap3A_88 = tpu.vector_load %arg7[%swap3A_87] {strides = array<i32>} : memref<2048xf32, #tpu.memory_space<vmem>>, vector<16xf32>,
      tpu.vector_store %arg7[%swap3A_87], %div3A {strides = array<i32>} : memref<2048xf32, #tpu.memory_space<vmem>>, vector<16xf32>,
    }
    %scan3A_9 = arith.constant 128 : i32
    %mul3A_10 = arith.constant 16 : i32
    %mul3A_11 = arith.muli %mul3A_2, %mul3A_10 : i32
    "tpu.region"() ({
      %run_scoped3A = tpu.sem_alloc : memref<!tpu.dma_semaphore, #tpu.memory_space<semaphore_mem>>
      %dma_start3A = tpu.memref_slice %arg3[%mul3A_11] : memref<65536xi32, #tpu.memory_space<hbm>> -> memref<2048xi32, #tpu.memory_space<hbm>>
      %dma_start3A_14 = tpu.memref_slice %arg3[%mul3A_11] : memref<65536xi32, #tpu.memory_space<hbm>> -> memref<2048xi32, #tpu.memory_space<hbm>>
      tpu.enqueue_dma source(%arg6 : memref<2048xi32, #tpu.memory_space<vmem>>) target(%dma_start3A_14 : memref<2048xi32, #tpu.memory_space<hbm>>) target_semaphore(%run_scoped3A : memref<!tpu.dma_semaphore, #tpu.memory_space<semaphore_mem>>)
      %dma_wait3A = tpu.memref_slice %arg3[%mul3A_11] : memref<65536xi32, #tpu.memory_space<hbm>> -> memref<2048xi32, #tpu.memory_space<hbm>>
      %dma_wait3A_15 = tpu.memref_slice %arg3[%mul3A_11] : memref<65536xi32, #tpu.memory_space<hbm>> -> memref<2048xi32, #tpu.memory_space<hbm>>
      tpu.wait_dma2 semaphore(%run_scoped3A : memref<!tpu.dma_semaphore, #tpu.memory_space<semaphore_mem>>) src(%arg6 : memref<2048xi32, #tpu.memory_space<vmem>>) dst(%dma_wait3A_15 : memref<2048xi32, #tpu.memory_space<hbm>>)
      tpu.yield
    }) : () -> ()
    %mul3A_12 = arith.constant 16 : i32
    %mul3A_13 = arith.muli %mul3A_2, %mul3A_12 : i32
    "tpu.region"() ({
      %run_scoped3A = tpu.sem_alloc : memref<!tpu.dma_semaphore, #tpu.memory_space<semaphore_mem>>
      %dma_start3A = tpu.memref_slice %arg4[%mul3A_13] : memref<65536xf32, #tpu.memory_space<hbm>> -> memref<2048xf32, #tpu.memory_space<hbm>>
      %dma_start3A_14 = tpu.memref_slice %arg4[%mul3A_13] : memref<65536xf32, #tpu.memory_space<hbm>> -> memref<2048xf32, #tpu.memory_space<hbm>>
      tpu.enqueue_dma source(%arg7 : memref<2048xf32, #tpu.memory_space<vmem>>) target(%dma_start3A_14 : memref<2048xf32, #tpu.memory_space<hbm>>) target_semaphore(%run_scoped3A : memref<!tpu.dma_semaphore, #tpu.memory_space<semaphore_mem>>)
      %dma_wait3A = tpu.memref_slice %arg4[%mul3A_13] : memref<65536xf32, #tpu.memory_space<hbm>> -> memref<2048xf32, #tpu.memory_space<hbm>>
      %dma_wait3A_15 = tpu.memref_slice %arg4[%mul3A_13] : memref<65536xf32, #tpu.memory_space<hbm>> -> memref<2048xf32, #tpu.memory_space<hbm>>
      tpu.wait_dma2 semaphore(%run_scoped3A : memref<!tpu.dma_semaphore, #tpu.memory_space<semaphore_mem>>) src(%arg7 : memref<2048xf32, #tpu.memory_space<vmem>>) dst(%dma_wait3A_15 : memref<2048xf32, #tpu.memory_space<hbm>>)
      tpu.yield
    }) : () -> ()
    return
  }
}

#map = affine_map<(d0, d1) -> (0, 0)>
#map1 = affine_map<(d0, d1) -> (0)>
module attributes {stable_mosaic.version = 14 : i64} {
  func.func @k(%arg0: i32, %arg1: i32, %arg2: memref<4096x64xf32, #tpu.memory_space<hbm>>, %arg3: memref<65536xi32, #tpu.memory_space<hbm>>, %arg4: memref<65536xf32, #tpu.memory_space<hbm>>, %arg5: memref<128x64xf32, #tpu.memory_space<vmem>>, %arg6: memref<2048xi32, #tpu.memory_space<vmem>>, %arg7: memref<2048xf32, #tpu.memory_space<vmem>>) attributes {dimension_semantics = [#tpu.dimension_semantics<core_parallel>, #tpu.dimension_semantics<subcore_parallel>], iteration_bounds = array<i64: 2, 16>, scalar_prefetch = 0 : i64, scratch_operands = 3 : i64, tpu.core_type = #tpu.core_type<sc_vector_subcore>, window_params = [{transform_indices = #map}, {transform_indices = #map1}, {transform_indices = #map1}]} {
    %mul3A = arith.constant 2 : i32
    %mul3A_0 = arith.muli %arg1, %mul3A : i32
    %add3A = arith.addi %mul3A_0, %arg0 : i32
    %mul3A_1 = arith.constant 128 : i32
    %mul3A_2 = arith.muli %add3A, %mul3A_1 : i32
    "tpu.region"() ({
      %run_scoped3A = tpu.sem_alloc : memref<!tpu.dma_semaphore, #tpu.memory_space<semaphore_mem>>
      %dma_start3A = arith.constant 0 : i32
      %dma_start3A_14 = tpu.memref_slice %arg2[%mul3A_2, %dma_start3A] : memref<4096x64xf32, #tpu.memory_space<hbm>> -> memref<128x64xf32, #tpu.memory_space<hbm>>
      %dma_start3A_15 = arith.constant 0 : i32
      %dma_start3A_16 = tpu.memref_slice %arg2[%mul3A_2, %dma_start3A_15] : memref<4096x64xf32, #tpu.memory_space<hbm>> -> memref<128x64xf32, #tpu.memory_space<hbm>>
      tpu.enqueue_dma source(%dma_start3A_16 : memref<128x64xf32, #tpu.memory_space<hbm>>) target(%arg5 : memref<128x64xf32, #tpu.memory_space<vmem>>) target_semaphore(%run_scoped3A : memref<!tpu.dma_semaphore, #tpu.memory_space<semaphore_mem>>)
      %dma_wait3A = arith.constant 0 : i32
      %dma_wait3A_17 = tpu.memref_slice %arg2[%mul3A_2, %dma_wait3A] : memref<4096x64xf32, #tpu.memory_space<hbm>> -> memref<128x64xf32, #tpu.memory_space<hbm>>
      %dma_wait3A_18 = arith.constant 0 : i32
      %dma_wait3A_19 = tpu.memref_slice %arg2[%mul3A_2, %dma_wait3A_18] : memref<4096x64xf32, #tpu.memory_space<hbm>> -> memref<128x64xf32, #tpu.memory_space<hbm>>
      tpu.wait_dma2 semaphore(%run_scoped3A : memref<!tpu.dma_semaphore, #tpu.memory_space<semaphore_mem>>) src(%dma_wait3A_19 : memref<128x64xf32, #tpu.memory_space<hbm>>) dst(%arg5 : memref<128x64xf32, #tpu.memory_space<vmem>>)
      tpu.yield
    }) : () -> ()
    %iota3A = tpu.iota {dimensions = array<i32: 0>} : vector<16xi32>
    %lt3A = arith.constant 8 : i32
    %lt3A_3 = vector.broadcast %lt3A : i32 to vector<16xi32>
    %lt3A_4 = arith.cmpi slt, %iota3A, %lt3A_3 : vector<16xi32>
    %scan3A = arith.constant 0 : i32
    %scan3A_5 = arith.constant 0 : i32
    %scan3A_6 = arith.constant 128 : i32
    %scan3A_7 = arith.addi %scan3A_5, %scan3A_6 : i32
    %scan3A_8 = arith.constant 1 : i32
    scf.for %scan3A_14 = %scan3A_5 to %scan3A_7 step %scan3A_8  : i32 {
      %get3A = arith.index_cast %scan3A_14 : i32 to index
      %get3A_15 = arith.constant 0 : index
      %get3A_16 = tpu.vector_load %arg5[%get3A, %get3A_15] {strides = array<i32>} : memref<128x64xf32, #tpu.memory_space<vmem>>, vector<16xf32>,
      %add3A_17 = arith.constant 0 : i32
      %add3A_18 = vector.broadcast %add3A_17 : i32 to vector<16xi32>
      %add3A_19 = arith.addi %iota3A, %add3A_18 : vector<16xi32>
      %masked_sort3A = arith.constant dense<true> : vector<16xi1>
      %masked_sort3A_20, %masked_sort3A_21, %masked_sort3A_22 = tpu.sort %get3A_16, %add3A_19 masked %masked_sort3A {descending = true} : (vector<16xf32>, vector<16xi32>, vector<16xi1>) -> (vector<16xi1>, vector<16xf32>, vector<16xi32>)
      %get3A_23 = arith.index_cast %scan3A_14 : i32 to index
      %get3A_24 = arith.constant 16 : index
      %get3A_25 = tpu.vector_load %arg5[%get3A_23, %get3A_24] {strides = array<i32>} : memref<128x64xf32, #tpu.memory_space<vmem>>, vector<16xf32>,
      %add3A_26 = arith.constant 16 : i32
      %add3A_27 = vector.broadcast %add3A_26 : i32 to vector<16xi32>
      %add3A_28 = arith.addi %iota3A, %add3A_27 : vector<16xi32>
      %masked_sort3A_29 = arith.constant dense<true> : vector<16xi1>
      %masked_sort3A_30, %masked_sort3A_31, %masked_sort3A_32 = tpu.sort %get3A_25, %add3A_28 masked %masked_sort3A_29 : (vector<16xf32>, vector<16xi32>, vector<16xi1>) -> (vector<16xi1>, vector<16xf32>, vector<16xi32>)
      %get3A_33 = arith.index_cast %scan3A_14 : i32 to index
      %get3A_34 = arith.constant 32 : index
      %get3A_35 = tpu.vector_load %arg5[%get3A_33, %get3A_34] {strides = array<i32>} : memref<128x64xf32, #tpu.memory_space<vmem>>, vector<16xf32>,
      %add3A_36 = arith.constant 32 : i32
      %add3A_37 = vector.broadcast %add3A_36 : i32 to vector<16xi32>
      %add3A_38 = arith.addi %iota3A, %add3A_37 : vector<16xi32>
      %masked_sort3A_39 = arith.constant dense<true> : vector<16xi1>
      %masked_sort3A_40, %masked_sort3A_41, %masked_sort3A_42 = tpu.sort %get3A_35, %add3A_38 masked %masked_sort3A_39 {descending = true} : (vector<16xf32>, vector<16xi32>, vector<16xi1>) -> (vector<16xi1>, vector<16xf32>, vector<16xi32>)
      %get3A_43 = arith.index_cast %scan3A_14 : i32 to index
      %get3A_44 = arith.constant 48 : index
      %get3A_45 = tpu.vector_load %arg5[%get3A_43, %get3A_44] {strides = array<i32>} : memref<128x64xf32, #tpu.memory_space<vmem>>, vector<16xf32>,
      %add3A_46 = arith.constant 48 : i32
      %add3A_47 = vector.broadcast %add3A_46 : i32 to vector<16xi32>
      %add3A_48 = arith.addi %iota3A, %add3A_47 : vector<16xi32>
      %masked_sort3A_49 = arith.constant dense<true> : vector<16xi1>
      %masked_sort3A_50, %masked_sort3A_51, %masked_sort3A_52 = tpu.sort %get3A_45, %add3A_48 masked %masked_sort3A_49 : (vector<16xf32>, vector<16xi32>, vector<16xi1>) -> (vector<16xi1>, vector<16xf32>, vector<16xi32>)
      %select_n3A = arith.select %lt3A_4, %masked_sort3A_21, %masked_sort3A_31 : vector<16xi1>, vector<16xf32>
      %select_n3A_53 = arith.select %lt3A_4, %masked_sort3A_22, %masked_sort3A_32 : vector<16xi1>, vector<16xi32>
      %select_n3A_54 = arith.select %lt3A_4, %masked_sort3A_41, %masked_sort3A_51 : vector<16xi1>, vector<16xf32>
      %select_n3A_55 = arith.select %lt3A_4, %masked_sort3A_42, %masked_sort3A_52 : vector<16xi1>, vector<16xi32>
      %masked_sort3A_56 = arith.constant dense<true> : vector<16xi1>
      %masked_sort3A_57, %masked_sort3A_58, %masked_sort3A_59 = tpu.sort %select_n3A, %select_n3A_53 masked %masked_sort3A_56 {descending = true} : (vector<16xf32>, vector<16xi32>, vector<16xi1>) -> (vector<16xi1>, vector<16xf32>, vector<16xi32>)
      %masked_sort3A_60 = arith.constant dense<true> : vector<16xi1>
      %masked_sort3A_61, %masked_sort3A_62, %masked_sort3A_63 = tpu.sort %select_n3A_54, %select_n3A_55 masked %masked_sort3A_60 : (vector<16xf32>, vector<16xi32>, vector<16xi1>) -> (vector<16xi1>, vector<16xf32>, vector<16xi32>)
      %select_n3A_64 = arith.select %lt3A_4, %masked_sort3A_58, %masked_sort3A_62 : vector<16xi1>, vector<16xf32>
      %select_n3A_65 = arith.select %lt3A_4, %masked_sort3A_59, %masked_sort3A_63 : vector<16xi1>, vector<16xi32>
      %masked_sort3A_66 = arith.constant dense<true> : vector<16xi1>
      %masked_sort3A_67, %masked_sort3A_68, %masked_sort3A_69 = tpu.sort %select_n3A_64, %select_n3A_65 masked %masked_sort3A_66 {descending = true} : (vector<16xf32>, vector<16xi32>, vector<16xi1>) -> (vector<16xi1>, vector<16xf32>, vector<16xi32>)
      %reduce_max3A = arith.constant true
      %reduce_max3A_70 = vector.broadcast %reduce_max3A : i1 to vector<16xi1>
      %reduce_max3A_71 = tpu.scan <max>, %masked_sort3A_68 masked %reduce_max3A_70 : vector<16xf32>, vector<16xi1> -> vector<16xf32>
      %reduce_max3A_72 = vector.extract %reduce_max3A_71[15] : f32 from vector<16xf32>
      %sub3A = vector.broadcast %reduce_max3A_72 : f32 to vector<16xf32>
      %sub3A_73 = arith.subf %masked_sort3A_68, %sub3A : vector<16xf32>
      %exp3A = math.exp %sub3A_73 : vector<16xf32>
      %jit3A = arith.constant 0.000000e+00 : f32
      %broadcast_in_dim3A = vector.broadcast %jit3A : f32 to vector<16xf32>
      %select_n3A_74 = arith.select %lt3A_4, %exp3A, %broadcast_in_dim3A : vector<16xi1>, vector<16xf32>
      %broadcast_in_dim3A_75 = arith.constant 0.000000e+00 : f32
      %broadcast_in_dim3A_76 = vector.broadcast %broadcast_in_dim3A_75 : f32 to vector<16xf32>
      %reduce_sum3A = arith.constant true
      %reduce_sum3A_77 = vector.broadcast %reduce_sum3A : i1 to vector<16xi1>
      %reduce_sum3A_78 = tpu.scan <sum>, %select_n3A_74 masked %reduce_sum3A_77 : vector<16xf32>, vector<16xi1> -> vector<16xf32>
      %reduce_sum3A_79 = vector.extract %reduce_sum3A_78[15] : f32 from vector<16xf32>
      %add3A_80 = vector.broadcast %reduce_sum3A_79 : f32 to vector<16xf32>
      %add3A_81 = arith.addf %broadcast_in_dim3A_76, %add3A_80 : vector<16xf32>
      %div3A = arith.divf %select_n3A_74, %add3A_81 : vector<16xf32>
      %mul3A_82 = arith.constant 16 : i32
      %mul3A_83 = arith.muli %scan3A_14, %mul3A_82 : i32
      %swap3A = arith.index_cast %mul3A_83 : i32 to index
      %swap3A_84 = tpu.vector_load %arg6[%swap3A] {strides = array<i32>} : memref<2048xi32, #tpu.memory_space<vmem>>, vector<16xi32>,
      tpu.vector_store %arg6[%swap3A], %masked_sort3A_69 {strides = array<i32>} : memref<2048xi32, #tpu.memory_space<vmem>>, vector<16xi32>,
      %mul3A_85 = arith.constant 16 : i32
      %mul3A_86 = arith.muli %scan3A_14, %mul3A_85 : i32
      %swap3A_87 = arith.index_cast %mul3A_86 : i32 to index
      %swap3A_88 = tpu.vector_load %arg7[%swap3A_87] {strides = array<i32>} : memref<2048xf32, #tpu.memory_space<vmem>>, vector<16xf32>,
      tpu.vector_store %arg7[%swap3A_87], %div3A {strides = array<i32>} : memref<2048xf32, #tpu.memory_space<vmem>>, vector<16xf32>,
    }
    %scan3A_9 = arith.constant 128 : i32
    %mul3A_10 = arith.constant 16 : i32
    %mul3A_11 = arith.muli %mul3A_2, %mul3A_10 : i32
    "tpu.region"() ({
      %run_scoped3A = tpu.sem_alloc : memref<!tpu.dma_semaphore, #tpu.memory_space<semaphore_mem>>
      %dma_start3A = tpu.memref_slice %arg3[%mul3A_11] : memref<65536xi32, #tpu.memory_space<hbm>> -> memref<2048xi32, #tpu.memory_space<hbm>>
      %dma_start3A_14 = tpu.memref_slice %arg3[%mul3A_11] : memref<65536xi32, #tpu.memory_space<hbm>> -> memref<2048xi32, #tpu.memory_space<hbm>>
      tpu.enqueue_dma source(%arg6 : memref<2048xi32, #tpu.memory_space<vmem>>) target(%dma_start3A_14 : memref<2048xi32, #tpu.memory_space<hbm>>) target_semaphore(%run_scoped3A : memref<!tpu.dma_semaphore, #tpu.memory_space<semaphore_mem>>)
      %dma_wait3A = tpu.memref_slice %arg3[%mul3A_11] : memref<65536xi32, #tpu.memory_space<hbm>> -> memref<2048xi32, #tpu.memory_space<hbm>>
      %dma_wait3A_15 = tpu.memref_slice %arg3[%mul3A_11] : memref<65536xi32, #tpu.memory_space<hbm>> -> memref<2048xi32, #tpu.memory_space<hbm>>
      tpu.wait_dma2 semaphore(%run_scoped3A : memref<!tpu.dma_semaphore, #tpu.memory_space<semaphore_mem>>) src(%arg6 : memref<2048xi32, #tpu.memory_space<vmem>>) dst(%dma_wait3A_15 : memref<2048xi32, #tpu.memory_space<hbm>>)
      tpu.yield
    }) : () -> ()
    %mul3A_12 = arith.constant 16 : i32
    %mul3A_13 = arith.muli %mul3A_2, %mul3A_12 : i32
    "tpu.region"() ({
      %run_scoped3A = tpu.sem_alloc : memref<!tpu.dma_semaphore, #tpu.memory_space<semaphore_mem>>
      %dma_start3A = tpu.memref_slice %arg4[%mul3A_13] : memref<65536xf32, #tpu.memory_space<hbm>> -> memref<2048xf32, #tpu.memory_space<hbm>>
      %dma_start3A_14 = tpu.memref_slice %arg4[%mul3A_13] : memref<65536xf32, #tpu.memory_space<hbm>> -> memref<2048xf32, #tpu.memory_space<hbm>>
      tpu.enqueue_dma source(%arg7 : memref<2048xf32, #tpu.memory_space<vmem>>) target(%dma_start3A_14 : memref<2048xf32, #tpu.memory_space<hbm>>) target_semaphore(%run_scoped3A : memref<!tpu.dma_semaphore, #tpu.memory_space<semaphore_mem>>)
      %dma_wait3A = tpu.memref_slice %arg4[%mul3A_13] : memref<65536xf32, #tpu.memory_space<hbm>> -> memref<2048xf32, #tpu.memory_space<hbm>>
      %dma_wait3A_15 = tpu.memref_slice %arg4[%mul3A_13] : memref<65536xf32, #tpu.memory_space<hbm>> -> memref<2048xf32, #tpu.memory_space<hbm>>
      tpu.wait_dma2 semaphore(%run_scoped3A : memref<!tpu.dma_semaphore, #tpu.memory_space<semaphore_mem>>) src(%arg7 : memref<2048xf32, #tpu.memory_space<vmem>>) dst(%dma_wait3A_15 : memref<2048xf32, #tpu.memory_space<hbm>>)
      tpu.yield
    }) : () -> ()
    return
  }
}

module attributes {stable_mosaic.version = 14 : i64} {
  func.func @_mm_body(%arg0: i32, %arg1: memref<1024x4096xf32, #tpu.memory_space<vmem>>, %arg2: memref<4096x64xbf16, #tpu.memory_space<vmem>>, %arg3: memref<1024x64xf32, #tpu.memory_space<vmem>>) attributes {dimension_semantics = [#tpu.dimension_semantics<arbitrary>], iteration_bounds = array<i64: 4>, scalar_prefetch = 0 : i64, scratch_operands = 0 : i64, tpu.core_type = #tpu.core_type<tc>, window_params = [{transform_indices = @transform_0, window_bounds = array<i64: 1024, 4096>}, {pipeline_mode = #tpu.pipeline_mode<synchronous>, transform_indices = @transform_1, window_bounds = array<i64: 4096, 64>}, {transform_indices = @transform_2, window_bounds = array<i64: 1024, 64>}]} {
    %get3A = arith.constant 0 : index
    %get3A_0 = arith.constant 0 : index
    %get3A_1 = vector.load %arg1[%get3A, %get3A_0] : memref<1024x4096xf32, #tpu.memory_space<vmem>>, vector<1024x4096xf32>
    %convert_element_type3A = arith.truncf %get3A_1 : vector<1024x4096xf32> to vector<1024x4096xbf16>
    %get3A_2 = arith.constant 0 : index
    %get3A_3 = arith.constant 0 : index
    %get3A_4 = vector.load %arg2[%get3A_2, %get3A_3] : memref<4096x64xbf16, #tpu.memory_space<vmem>>, vector<4096x64xbf16>
    %dot_general3A = arith.constant dense<0.000000e+00> : vector<1024x64xf32>
    %dot_general3A_5 = tpu.matmul %convert_element_type3A, %get3A_4, %dot_general3A {dimension_numbers = #tpu.dot_dimension_numbers<[1], [0], [0], [1], [0, 0, 1, 1], [], []>, transpose_lhs_hint = false} : vector<1024x4096xbf16>, vector<4096x64xbf16>, vector<1024x64xf32> -> vector<1024x64xf32>
    %swap3A = arith.constant 0 : index
    %swap3A_6 = arith.constant 0 : index
    %swap3A_7 = vector.load %arg3[%swap3A, %swap3A_6] : memref<1024x64xf32, #tpu.memory_space<vmem>>, vector<1024x64xf32>
    tpu.vector_store %arg3[%swap3A, %swap3A_6], %dot_general3A_5 {strides = array<i32>} : memref<1024x64xf32, #tpu.memory_space<vmem>>, vector<1024x64xf32>,
    return
  }
  func.func @transform_0(%arg0: i32) -> (i32, i32) {
    %c0_i32 = arith.constant 0 : i32
    %c0_i32_0 = arith.constant 0 : i32
    return %arg0, %c0_i32 : i32, i32
  }
  func.func @transform_1(%arg0: i32) -> (i32, i32) {
    %c0_i32 = arith.constant 0 : i32
    %c0_i32_0 = arith.constant 0 : i32
    %c0_i32_1 = arith.constant 0 : i32
    return %c0_i32, %c0_i32_0 : i32, i32
  }
  func.func @transform_2(%arg0: i32) -> (i32, i32) {
    %c0_i32 = arith.constant 0 : i32
    %c0_i32_0 = arith.constant 0 : i32
    return %arg0, %c0_i32 : i32, i32
  }
}

</mosaic_0001>

<sc_bundles>
// kernel: kernel.10.cloned.1.call-start
scs
__scs_entry_jumppad:
0x0: {  	(pc) =	sbr.rel $0x88, $3  }
0x1: {  	(tag) =	ssettag $0x0;
	lr =	simm.s32 $0x1  }
0x2: {  	[smem:$0x3F9F] =	sst lr;
	_ =	strace $0xD0000000  }
0x3: {  	_ = 	snop  }
0x4: {  	_ = 	snop  }
0x5: {  	_ = 	snop  }
0x6: {  	_ = 	snop  }
0x7: {  	_ = 	snop  }
__scs_overlays_trampoline_lowered:
0x8: {  	[smem:$0x3FAE] =	sst s0  }
0x9: {  	[smem:$0x3FAF] =	sst s1  }
0xa: {  	[smem:$0x3FB0] =	sst s2  }
0xb: {  	[smem:$0x3FB1] =	sst s3  }
0xc: {  	[smem:$0x3FB2] =	sst s4  }
0xd: {  	[smem:$0x3FB3] =	sst s5  }
0xe: {  	[smem:$0x3FB4] =	sst s6  }
0xf: {  	[smem:$0x3FB5] =	sst s7  }
0x10: {  	[smem:$0x3FB6] =	sst s8  }
0x11: {  	[smem:$0x3FB7] =	sst s9;
	s0 =	simm.s32 @!p0 $0x0  }
0x12: {  	s1 =	sld [smem:$0x3F9D];
	s0 =	simm.s32 @p0 $0x1  }
0x13: {  	[smem:$0x3FB8] =	sst s0;
	s0 =	simm.s32 @!p1 $0x0  }
0x14: {  	s2 =	sld [smem:$0x3F9C];
	s0 =	simm.s32 @p1 $0x1  }
0x15: {  	[smem:$0x3FB9] =	sst s0;
	s0 =	simm.s32 @!p2 $0x0  }
0x16: {  	s3 =	sld [smem:$0x3FDB];
	s0 =	simm.s32 @p2 $0x1  }
0x17: {  	s4 =	simm.s32 $0x1BF5;
	[smem:$0x3FBB] =	sst s0  }
0x18: {  	s0 =	sld [smem:$0x3F9E];
	_ =	swait.ge [sflag:s4], $0x0  }
0x19: {  	s7 =	sld [smem:$0x3F9F]  }
0x1a: {  	s8 =	sadd.s32 $0xFFFFE003, lr  }
0x1b: {  	s9 =	sadd.s32 $0xFFFFFEF7, lr;
	s5 =	simm.s32 $0xFFFFFFFF;
	p2 =	slt.u32 s8, $0xFFFFF086  }
0x1c: {  	p1 =	slt.u32 s9, $0xF7A;
	s5 =	simm.s32 @!p2 $0x0  }
0x1d: {  	s5 =	simm.s32 @p1 $0x1;
	p0 =	seq.s32 s7, s2  }
0x1e: {  	s7 =	smul.u32 @!p0 $0xF7A, s2;
	p2 =	seq.s32 @!p0 s5, $0x0  }
0x1f: {  	s9 =	smul.u32 $0xF7A, s1;
	s8 =	simm.s32 @!p0 $0x1BF5;
	p2 =	por !p2, p0  }
0x20: {  	[sflag:s8] =	ssyncset.s32 @!p0 $0xFFFFF086;
	s6 =	sadd.s32 @!p0 s3, s7;
	s7 =	simm.s32 @!p0 $0x108  }
0x21: {  	s3 =	sadd.s32 s3, s9;
	s6 =	sadd.s32 @!p0 $0x88, s6;
	s7 =	simm.s32 @p2 $0x1082  }
0x22: {  	[simem:s7], [sflag:s8] =	dma.local @!p0 [hbm:s6], $0xF7A  }
0x23: {  	s9 =	sor.u32 $0xD0000000, s2;
	s6 =	simm.s32 $0x108;
	_ =	swait.ge @!p0 [sflag:s8], $0x0  }
0x24: {  	s3 =	sadd.s32 $0x88, s3;
	s6 =	simm.s32 @!p1 $0x1082;
	[sflag:s4] =	ssyncset.s32 $0xFFFFF086  }
0x25: {  	[simem:s6], [sflag:s4] =	dma.local [hbm:s3], $0xF7A  }
0x26: {  	[smem:$0x3F9F] =	sst s1;
	(tag) =	ssettag s2;
	_ =	strace s9  }
0x27: {  	s1 =	sld [smem:$0x3FAF]  }
0x28: {  	s2 =	sld [smem:$0x3FB0]  }
0x29: {  	s4 =	sld [smem:$0x3FB2]  }
0x2a: {  	p0 =	seq.s32 s5, $0x0;
	s5 =	sld [smem:$0x3FB3]  }
0x2b: {  	s6 =	sld [smem:$0x3FB4]  }
0x2c: {  	s7 =	sld [smem:$0x3FB5]  }
0x2d: {  	s3 =	simm.s32 $0x108;
	s8 =	sld [smem:$0x3FB6]  }
0x2e: {  	s3 =	simm.s32 @!p0 $0x1082;
	s9 =	sld [smem:$0x3FB7]  }
0x2f: {  	lr =	sadd.s32 s0, s3;
	s0 =	sld [smem:$0x3FAE]  }
0x30: {  	s3 =	sld [smem:$0x3FB1]  }
0x31: {  	[smem:$0x3FBA] =	sst s10  }
0x32: {  	s10 =	sld [smem:$0x3FB8];
	_ =	sdelay $0x3  }
0x33: {  	p0 =	seq.s32 s10, $0x1;
	s10 =	sld [smem:$0x3FBA];
	_ =	sdelay $0x3  }
0x34: {  	[smem:$0x3FBA] =	sst s10  }
0x35: {  	s10 =	sld [smem:$0x3FB9];
	_ =	sdelay $0x3  }
0x36: {  	p1 =	seq.s32 s10, $0x1;
	s10 =	sld [smem:$0x3FBA];
	_ =	sdelay $0x3  }
0x37: {  	[smem:$0x3FBA] =	sst s10  }
0x38: {  	s10 =	sld [smem:$0x3FBB]  }
0x39: {  	_ = 	snop;
	(pc) =	sbr.ind lr, $3  }
0x3a: {  	_ = 	snop  }
0x3b: {  	_ = 	snop  }
0x3c: {  	p2 =	seq.s32 s10, $0x1;
	s10 =	sld [smem:$0x3FBA]  }
0x3d: {  	_ =	shalt  }
0x3e: {  	_ =	shalt  }
0x3f: {  	_ =	shalt  }
0x40: {  	_ =	shalt  }
0x41: {  	_ =	shalt  }
0x42: {  	_ =	shalt  }
0x43: {  	_ =	shalt  }
0x44: {  	_ =	shalt  }
0x45: {  	_ =	shalt  }
0x46: {  	_ =	shalt  }
0x47: {  	_ =	shalt  }
0x48: {  	_ =	shalt  }
0x49: {  	_ =	shalt  }
0x4a: {  	_ =	shalt  }
0x4b: {  	_ =	shalt  }
0x4c: {  	_ =	shalt  }
0x4d: {  	_ =	shalt  }
0x4e: {  	_ =	shalt  }
0x4f: {  	_ =	shalt  }
0x50: {  	_ =	shalt  }
0x51: {  	_ =	shalt  }
0x52: {  	_ =	shalt  }
0x53: {  	_ =	shalt  }
0x54: {  	_ =	shalt  }
0x55: {  	_ =	shalt  }
0x56: {  	_ =	shalt  }
0x57: {  	_ =	shalt  }
0x58: {  	_ =	shalt  }
0x59: {  	_ =	shalt  }
0x5a: {  	_ =	shalt  }
0x5b: {  	_ =	shalt  }
0x5c: {  	_ =	shalt  }
0x5d: {  	_ =	shalt  }
0x5e: {  	_ =	shalt  }
0x5f: {  	_ =	shalt  }
0x60: {  	_ =	shalt  }
0x61: {  	_ =	shalt  }
0x62: {  	_ =	shalt  }
0x63: {  	_ =	shalt  }
0x64: {  	_ =	shalt  }
0x65: {  	_ =	shalt  }
0x66: {  	_ =	shalt  }
0x67: {  	_ =	shalt  }
0x68: {  	_ =	shalt  }
0x69: {  	_ =	shalt  }
0x6a: {  	_ =	shalt  }
0x6b: {  	_ =	shalt  }
0x6c: {  	_ =	shalt  }
0x6d: {  	_ =	shalt  }
0x6e: {  	_ =	shalt  }
0x6f: {  	_ =	shalt  }
0x70: {  	_ =	shalt  }
0x71: {  	_ =	shalt  }
0x72: {  	_ =	shalt  }
0x73: {  	_ =	shalt  }
0x74: {  	_ =	shalt  }
0x75: {  	_ =	shalt  }
0x76: {  	_ =	shalt  }
0x77: {  	_ =	shalt  }
0x78: {  	_ =	shalt  }
0x79: {  	_ =	shalt  }
0x7a: {  	_ =	shalt  }
0x7b: {  	_ =	shalt  }
0x7c: {  	_ =	shalt  }
0x7d: {  	_ =	shalt  }
0x7e: {  	_ =	shalt  }
0x7f: {  	_ =	shalt  }
0x80: {  	_ =	shalt  }
0x81: {  	_ =	shalt  }
0x82: {  	_ =	shalt  }
0x83: {  	_ =	shalt  }
0x84: {  	_ =	shalt  }
0x85: {  	_ =	shalt  }
0x86: {  	_ =	shalt  }
0x87: {  	_ =	shalt  }
.Lfunc_end0:
.L_simem_size_0:
called_computation_lowered:
.L_overlay_start_0:
0x88: {  	s2 =	sld [smem:$0x3FD9]  }
0x89: {  	s3 =	sld [smem:$0x3FFE];
	_ =	sdelay $0x1  }
0x8a: {  	s1 =	srdreg.scid  }
0x8b: {  	s0 =	sand.u32 $0x1, s1  }
0x8c: {  	s16 =	sshll.u32 s0, $0xA;
	s2 =	sadd.s32 s3, s2  }
0x8d: {  	s2 =	sadd.s32 s2, s16  }
0x8e: {  	[smem:$0x3FC6] =	sst s2  }
0x8f: {  	_ = 	snop  }
0x90: {  	(tm) =	ssettm $0x1  }
0x91: {  	s17 =	sld [smem:$0x3FFB];
	_ =	sdelay $0x3  }
0x92: {  	_ =	strace s17  }
0x93: {  	s2 =	sld [smem:$0x3FFC];
	_ =	sdelay $0x3  }
0x94: {  	_ =	strace s2  }
0x95: {  	s2 =	sld [smem:$0x3FFD];
	_ =	sdelay $0x3  }
0x96: {  	_ =	strace s2  }
0x97: {  	_ =	strace $0x8FFFFFFF  }
0x98: {  	s18 =	sld [smem:$0x3FDB];
	_ =	sdelay $0x1  }
0x99: {  	s19 =	simm.s32 $_scs_section_size  }
0x9a: {  	s4 =	simm.s32 $_size__tile_overlayer_lowered;
	s5 =	simm.s32 $_tile_overlayer_lowered  }
0x9b: {  	s22 =	simm.s32 $0x1BFF;
	s21 =	sshll.u32 s5, $0x1;
	s2 =	sadd.s32 s19, s18  }
0x9c: {  	s6 =	simm.s32 $0x0;
	s20 =	sshll.u32 s4, $0x1;
	s4 =	sadd.s32 s21, s2  }
0x9d: {  	[timem:s6], [sflag:s22] =	dma.local [hbm:s4], s20  }
0x9e: {  	_ =	swait.ge [sflag:s22], s20  }
0x9f: {  	s3 =	ssub.s32 $0x0, s20;
	[sflag:s22] =	ssyncset.done $0x0  }
0xa0: {  	[sflag:s22] =	ssyncadd.s32 s3;
	_ =	sdelay $0x1  }
0xa1: {  	s23 =	simm.s32 $0x1B8B  }
0xa2: {  	_ =	swait.ge [sflag:s23], $0x1  }
0xa3: {  	[sflag:s23] =	ssyncset.done $0x0  }
0xa4: {  	s25 =	simm.s32 $0x1B8E;
	s24 =	sld [smem:$0x3FFE];
	[sflag:s23] =	ssyncadd.s32 $0xFFFFFFFF  }
0xa5: {  	s26 =	simm.s32 $execute0_lowered;
	[smem:$0x3FD2] =	sst s25  }
0xa6: {  	s4 =	sshll.u32 s26, $0x1;
	_ =	strace $0x80000046;
	[dreg:$0x1] =	wrdreg $0xFFFFFFFF  }
0xa7: {  	s28 =	simm.s32 $_size_execute0_lowered;
	s2 =	sadd.s32 s2, s4;
	[dreg:$0x0] =	wrdreg $0x0  }
0xa8: {  	s4 =	sshll.u32 s28, $0x1;
	[dreg:$0x2] =	wrdreg s2  }
0xa9: {  	[dreg:$0x3] =	wrdreg s4  }
0xaa: {  	[dreg:$0x4] =	wrdreg $0xC0  }
0xab: {  	_ =	task [dreg:s6], $0x5FFFF  }
0xac: {  	[dreg:$0x1] =	wrdreg $0xFFFFFFFF  }
0xad: {  	[dreg:$0x0] =	wrdreg $0x60  }
0xae: {  	[dreg:$0x2] =	wrdreg s24  }
0xaf: {  	[dreg:$0x3] =	wrdreg $0x9  }
0xb0: {  	_ =	task.clear_ibuf [dreg:s6], $0x4FFFF;
	_ =	strace $0x90000046  }
0xb1: {  	s29 =	simm.s32 $0x9;
	_ =	strace $0x80000048  }
0xb2: {  	_ =	swait.ge [sflag:s29], $0x1  }
0xb3: {  	[sflag:s29] =	ssyncadd.s32 $0xFFFFFFFF  }
0xb4: {  	_ =	strace $0x90000048  }
0xb5: {  	_ =	sfence  }
0xb6: {  	s30 =	sld [smem:$0x0];
	_ =	sdelay $0x2  }
0xb7: {  	s31 =	sshll.u32 s1, $0xD;
	s1 =	sshrl.u32 s1, $0x2  }
0xb8: {  	s3 =	sand.u32 $0x4000, s31;
	s1 =	sadd.s32 s1, s30  }
0xb9: {  	s0 =	sor.u32 s3, s0;
	s1 =	sshll.u32 s1, $0x11  }
0xba: {  	s0 =	sor.u32 s1, s0  }
0xbb: {  	s0 =	sadd.s32 $0x8F2B, s0  }
0xbc: {  	[sflag:s0] =	ssyncadd.remote.s32 $0x1  }
0xbd: {  	_ =	sfence.sel $0xFFFF  }
0xbe: {  	[dreg:$0x0] =	wrdreg $0xFFFFFFFF;
	(pc) =	sbr.abs _section_cstart, $3  }
0xbf: {  	[dreg:$0x1] =	wrdreg $0xFFFFFFFF  }
0xc0: {  	_ =	task.clear_ibuf [dreg:s6], $0x2FFFF;
	_ =	strace $0x9FFFFFFF  }
0xc1: {  	(tm) =	ssettm $0x7FFFFFFF  }
tec
execute0_lowered:
.L_overlay_start_1:
0x0: {  	(tag) =	ssettag $0x1  }
0x1: {  	s3 =	rddreg [dreg:$0x0]  }
0x2: {  	s0 =	rddreg [dreg:$0x1];
	s2 =	simm.s32 $0x0;
	s4 =	srdreg.scid  }
0x3: {  	s1 =	stileid.u32;
	s8 =	simm.s32 $0x4000;
	s9 =	simm.s32 $0x4800  }
0x4: {  	[smem:$0x7FF] =	sst s2;
	s4 =	sand.u32 $0x1, s4;
	s5 =	sshll.u32 s1, $0x1  }
0x5: {  	s10 =	simm.s32 $0x0;
	_ =	strace $0x80000047;
	s5 =	sor.u32 s4, s5  }
0x6: {  	s4 =	ssub.s32 $0x2, s4;
	s6 =	sshll.u32 s5, $0xB;
	s5 =	sshll.u32 s5, $0x8  }
0x7: {  	s31 =	sshrl.u32 s4, $0x1;
	s6 =	sadd.s32 s6, s3;
	s5 =	sadd.s32 s5, s3  }
0x8: {  	v0 =	vlaneseq.u32;
	vm0 =	vmmov $0xff;
	s7 =	ssub.s32 s4, s31;
	s3 =	sadd.s32 $0x3400, s6;
	s4 =	sadd.s32 $0x13400, s5  }
0x9: {  	v1 =	vor.u32 $0x10, v0;
	v2 =	vor.u32 $0x20, v0;
	v3 =	vor.u32 $0x30, v0;
	s5 =	sadd.s32 $0x15400, s5;
	s6 =	smax.u32 s7, $0x1;
	s7 =	simm.s32 $0x1  }
.LBB2_1:
0xa: {  	[tilespmem:s2], [sflag:$0x1] =	stream.linear.gather [hbm4b:s3+s2], $0x4000, $0x38;
	[tilespmem:$0x5000] =	vst v63  }
0xb: {  	_ =	swait.ge [sflag:s7], $0x4000  }
0xc: {  	[sflag:s7] =	ssyncset.done $0x0  }
0xd: {  	s12 =	simm.s32 $0x20;
	[sflag:s7] =	ssyncadd.s32 $0xFFFFC000  }
0xe: {  	v4 =	vld [tilespmem:s12+$0x10]  }
0xf: {  	v5 =	vld [tilespmem:s12+$0x0]  }
0x10: {  	v6 =	vld [tilespmem:s12+$0xFFFFFFF0]  }
0x11: {  	s13 =	simm.s32 $0x40;
	s11 =	simm.s32 $0x0;
	v7 =	vld [tilespmem:s12+$0xFFFFFFE0]  }
.LBB2_2:
0x12: {  	p0 =	sne.s32 s13, $0x1FC0  }
0x13: {  	(xrf1) =	vsort.ascd.msk.f32 $0xffff, v4, v3  }
0x14: {  	(xrf1) =	vsort.dscd.msk.f32 $0xffff, v5, v2  }
0x15: {  	(xrf1) =	vsort.ascd.msk.f32 $0xffff, v6, v1  }
0x16: {  	(xrf1) =	vsort.dscd.msk.f32 $0xffff, v7, v0;
	_ =	sdelay $0xa  }
0x17: {  	v4, v5, _ =	vpop (xrf1)  }
0x18: {  	v6, v7, _ =	vpop (xrf1)  }
0x19: {  	v8, v9, _ =	vpop (xrf1)  }
0x1a: {  	v4 =	vsel vm0, v6, v4;
	v5 =	vsel vm0, v7, v5;
	v6, v7, _ =	vpop (xrf1)  }
0x1b: {  	v6 =	vsel vm0, v6, v8;
	v7 =	vsel vm0, v7, v9;
	(xrf1) =	vsort.ascd.msk.f32 $0xffff, v4, v5  }
0x1c: {  	(xrf1) =	vsort.dscd.msk.f32 $0xffff, v6, v7;
	_ =	sdelay $0xc  }
0x1d: {  	v4, v5, _ =	vpop (xrf1)  }
0x1e: {  	v6, v7, _ =	vpop (xrf1)  }
0x1f: {  	v4 =	vsel vm0, v6, v4;
	v5 =	vsel vm0, v7, v5  }
0x20: {  	(xrf1) =	vsort.dscd.msk.f32 $0xffff, v4, v5;
	_ =	sdelay $0xd  }
0x21: {  	s14 =	sshra.s32 s11, $0x2;
	s11 =	smov.u32 s13;
	v4, v5, _ =	vpop (xrf1)  }
0x22: {  	[tilespmem:s14+$0x4000] =	vst v5;
	(xrf0) =	vmax.scan.msk.f32 $0xffff, v4;
	_ =	sdelay $0x5  }
0x23: {  	v5, _, _ =	vpop (xrf0)  }
0x24: {  	v5 =	vbroadcast v5, $0xF;
	_ =	sdelay $0x1  }
0x25: {  	v4 =	vsub.f32 v4, v5;
	_ =	sdelay $0x1  }
0x26: {  	v4 =	vmul.f32 $1.442695020e+00, v4;
	_ =	sdelay $0x1  }
0x27: {  	(erf) = vpow2.f32 v4;
	_ =	sdelay $0x8  }
0x28: {  	v4 =	vpop (erf)  }
0x29: {  	v4 =	vnsel vm0, $0x0, v4  }
0x2a: {  	(xrf2) =	vadd.scan.msk.f32 $0xffff, v4;
	_ =	sdelay $0x9  }
0x2b: {  	v5, _, _ =	vpop (xrf2)  }
0x2c: {  	v5 =	vadd.f32 $0.0e+00, v5;
	_ =	sdelay $0x1  }
0x2d: {  	v5 =	vbroadcast v5, $0xF;
	_ =	sdelay $0x1  }
0x2e: {  	(erf) = vrcp.f32 v5;
	_ =	sdelay $0x8  }
0x2f: {  	v5 =	vpop (erf)  }
0x30: {  	v4 =	vmul.f32 v5, v4;
	_ =	sdelay $0x1  }
.Ltmp0:
0x31: {  	s12 =	sadd.s32 $0x80, s12;
	[tilespmem:s14+$0x4800] =	vst v4;
	(pc) =	sbr.rel @p0 .LBB2_2-.Ltmp0, $4  }
0x32: {  	v4 =	vld [tilespmem:s12+$0x10]  }
0x33: {  	v5 =	vld [tilespmem:s12+$0x0]  }
0x34: {  	v6 =	vld [tilespmem:s12+$0xFFFFFFF0]  }
0x35: {  	s13 =	sadd.s32 $0x40, s13;
	v7 =	vld [tilespmem:s12+$0xFFFFFFE0]  }
0x36: {  	_ = 	snop  }
0x37: {  	(xrf1) =	vsort.ascd.msk.f32 $0xffff, v4, v3  }
0x38: {  	(xrf1) =	vsort.dscd.msk.f32 $0xffff, v5, v2  }
0x39: {  	(xrf1) =	vsort.ascd.msk.f32 $0xffff, v6, v1  }
0x3a: {  	(xrf1) =	vsort.dscd.msk.f32 $0xffff, v7, v0;
	_ =	sdelay $0xa  }
0x3b: {  	v4, v5, _ =	vpop (xrf1)  }
0x3c: {  	v58, v59, _ =	vpop (xrf1)  }
0x3d: {  	v8, v9, _ =	vpop (xrf1)  }
0x3e: {  	v4 =	vsel vm0, v58, v4;
	v5 =	vsel vm0, v59, v5;
	v60, v61, _ =	vpop (xrf1)  }
0x3f: {  	(xrf1) =	vsort.ascd.msk.f32 $0xffff, v4, v5;
	v6 =	vsel vm0, v60, v8;
	v7 =	vsel vm0, v61, v9  }
0x40: {  	(xrf1) =	vsort.dscd.msk.f32 $0xffff, v6, v7;
	_ =	sdelay $0xc  }
0x41: {  	v4, v5, _ =	vpop (xrf1)  }
0x42: {  	v6, v7, _ =	vpop (xrf1)  }
0x43: {  	v4 =	vsel vm0, v6, v4;
	v5 =	vsel vm0, v7, v5  }
0x44: {  	(xrf1) =	vsort.dscd.msk.f32 $0xffff, v4, v5;
	_ =	sdelay $0xd  }
0x45: {  	v4, v5, _ =	vpop (xrf1)  }
0x46: {  	(xrf0) =	vmax.scan.msk.f32 $0xffff, v4;
	_ =	sdelay $0x5  }
0x47: {  	v62, _, _ =	vpop (xrf0)  }
0x48: {  	v6 =	vbroadcast v62, $0xF;
	_ =	sdelay $0x1  }
0x49: {  	v4 =	vsub.f32 v4, v6;
	_ =	sdelay $0x1  }
0x4a: {  	v4 =	vmul.f32 $1.442695020e+00, v4;
	_ =	sdelay $0x1  }
0x4b: {  	(erf) = vpow2.f32 v4;
	_ =	sdelay $0x8  }
0x4c: {  	v4 =	vpop (erf)  }
0x4d: {  	v4 =	vnsel vm0, $0x0, v4  }
0x4e: {  	(xrf2) =	vadd.scan.msk.f32 $0xffff, v4;
	_ =	sdelay $0x9  }
0x4f: {  	v63, _, _ =	vpop (xrf2)  }
0x50: {  	v6 =	vadd.f32 $0.0e+00, v63;
	_ =	sdelay $0x1  }
0x51: {  	v6 =	vbroadcast v6, $0xF;
	_ =	sdelay $0x1  }
0x52: {  	(erf) = vrcp.f32 v6;
	_ =	sdelay $0x8  }
0x53: {  	v6 =	vpop (erf)  }
0x54: {  	s11 =	sshra.s32 s11, $0x2;
	v4 =	vmul.f32 v6, v4  }
0x55: {  	[tilespmem:s11+$0x4000] =	vst v5  }
0x56: {  	[tilespmem:s11+$0x4800] =	vst v4  }
0x57: {  	[hbm4b:s4+s2] =	stream.linear.scatter [tilespmem:s8], [sflag:$0x1], $0x800, $0x38;
	[tilespmem:$0x5000] =	vst v63  }
0x58: {  	s10 =	sadd.s32 $0x1, s10;
	_ =	swait.ge [sflag:s7], $0x800  }
0x59: {  	p0 =	sne.s32 s10, s6;
	[sflag:s7] =	ssyncset.done $0x0  }
.Ltmp1:
0x5a: {  	[sflag:s7] =	ssyncadd.s32 $0xFFFFF800;
	(pc) =	sbr.rel @p0 .LBB2_1-.Ltmp1, $4  }
0x5b: {  	[hbm4b:s5+s2] =	stream.linear.scatter [tilespmem:s9], [sflag:$0x1], $0x800, $0x38;
	[tilespmem:$0x5000] =	vst v63  }
0x5c: {  	_ =	swait.ge [sflag:s7], $0x800  }
0x5d: {  	[sflag:s7] =	ssyncset.done $0x0  }
0x5e: {  	[sflag:s7] =	ssyncadd.s32 $0xFFFFF800  }
0x5f: {  	_ =	sfence.sel $0x180000  }
0x60: {  	[bflag:$0x0] =	sbarrier.arrive $0xFFFF  }
0x61: {  	p0 =	sne.s32 s1, $0x0;
	_ =	strace $0x90000047  }
0x62: {  	s0 =	sadd.s32 @!p0 $0x100000, s0;
	[bflag:$0x2] =	sbarrier.arrive $0xFFFF  }
0x63: {  	[sflag:s0] =	ssyncadd.tile.s32 @!p0 $0x1;
	_ =	shalt  }
.Lfunc_end2:
_tile_overlayer_lowered:
.L_overlay_start_2:
0x64: {  	(tag) =	ssettag $0x2  }
0x65: {  	s0 =	rddreg [dreg:$0x0];
	s2 =	stileid.u32  }
0x66: {  	s1 =	rddreg [dreg:$0x1];
	p0 =	sne.s32 s2, $0x0  }
0x67: {  	s3 =	rddreg [dreg:$0x2];
	[bflag:$0x3] =	sbarrier.arrive $0xFFFF;
	s2 =	simm.s32 @!p0 $0x1C01  }
0x68: {  	[timem:s3], [sflag:s2] =	dma.local @!p0 [hbm:s0], s1  }
0x69: {  	s0 =	simm.s32 @!p0 $0x1  }
0x6a: {  	_ =	swait.ge @!p0 [sflag:s0], s1  }
0x6b: {  	s1 =	ssub.s32 @!p0 $0x0, s1;
	[sflag:s0] =	ssyncset.done @!p0 $0x0  }
0x6c: {  	[sflag:s0] =	ssyncadd.s32 @!p0 s1  }
0x6d: {  	[bflag:$0x3] =	sbarrier.arrive $0xFFFF  }
0x6e: {  	_ =	shalt  }

// kernel: kernel.13.cloned.1.call-start
scs
__scs_entry_jumppad:
0x0: {  	(pc) =	sbr.rel $0x88, $3  }
0x1: {  	(tag) =	ssettag $0x0;
	lr =	simm.s32 $0x1  }
0x2: {  	[smem:$0x3F9F] =	sst lr;
	_ =	strace $0xD0000000  }
0x3: {  	_ = 	snop  }
0x4: {  	_ = 	snop  }
0x5: {  	_ = 	snop  }
0x6: {  	_ = 	snop  }
0x7: {  	_ = 	snop  }
__scs_overlays_trampoline_lowered:
0x8: {  	[smem:$0x3FAE] =	sst s0  }
0x9: {  	[smem:$0x3FAF] =	sst s1  }
0xa: {  	[smem:$0x3FB0] =	sst s2  }
0xb: {  	[smem:$0x3FB1] =	sst s3  }
0xc: {  	[smem:$0x3FB2] =	sst s4  }
0xd: {  	[smem:$0x3FB3] =	sst s5  }
0xe: {  	[smem:$0x3FB4] =	sst s6  }
0xf: {  	[smem:$0x3FB5] =	sst s7  }
0x10: {  	[smem:$0x3FB6] =	sst s8  }
0x11: {  	[smem:$0x3FB7] =	sst s9;
	s0 =	simm.s32 @!p0 $0x0  }
0x12: {  	s1 =	sld [smem:$0x3F9D];
	s0 =	simm.s32 @p0 $0x1  }
0x13: {  	[smem:$0x3FB8] =	sst s0;
	s0 =	simm.s32 @!p1 $0x0  }
0x14: {  	s2 =	sld [smem:$0x3F9C];
	s0 =	simm.s32 @p1 $0x1  }
0x15: {  	[smem:$0x3FB9] =	sst s0;
	s0 =	simm.s32 @!p2 $0x0  }
0x16: {  	s3 =	sld [smem:$0x3FDB];
	s0 =	simm.s32 @p2 $0x1  }
0x17: {  	s4 =	simm.s32 $0x1BF5;
	[smem:$0x3FBB] =	sst s0  }
0x18: {  	s0 =	sld [smem:$0x3F9E];
	_ =	swait.ge [sflag:s4], $0x0  }
0x19: {  	s7 =	sld [smem:$0x3F9F]  }
0x1a: {  	s8 =	sadd.s32 $0xFFFFE003, lr  }
0x1b: {  	s9 =	sadd.s32 $0xFFFFFEF7, lr;
	s5 =	simm.s32 $0xFFFFFFFF;
	p2 =	slt.u32 s8, $0xFFFFF086  }
0x1c: {  	p1 =	slt.u32 s9, $0xF7A;
	s5 =	simm.s32 @!p2 $0x0  }
0x1d: {  	s5 =	simm.s32 @p1 $0x1;
	p0 =	seq.s32 s7, s2  }
0x1e: {  	s7 =	smul.u32 @!p0 $0xF7A, s2;
	p2 =	seq.s32 @!p0 s5, $0x0  }
0x1f: {  	s9 =	smul.u32 $0xF7A, s1;
	s8 =	simm.s32 @!p0 $0x1BF5;
	p2 =	por !p2, p0  }
0x20: {  	[sflag:s8] =	ssyncset.s32 @!p0 $0xFFFFF086;
	s6 =	sadd.s32 @!p0 s3, s7;
	s7 =	simm.s32 @!p0 $0x108  }
0x21: {  	s3 =	sadd.s32 s3, s9;
	s6 =	sadd.s32 @!p0 $0x88, s6;
	s7 =	simm.s32 @p2 $0x1082  }
0x22: {  	[simem:s7], [sflag:s8] =	dma.local @!p0 [hbm:s6], $0xF7A  }
0x23: {  	s9 =	sor.u32 $0xD0000000, s2;
	s6 =	simm.s32 $0x108;
	_ =	swait.ge @!p0 [sflag:s8], $0x0  }
0x24: {  	s3 =	sadd.s32 $0x88, s3;
	s6 =	simm.s32 @!p1 $0x1082;
	[sflag:s4] =	ssyncset.s32 $0xFFFFF086  }
0x25: {  	[simem:s6], [sflag:s4] =	dma.local [hbm:s3], $0xF7A  }
0x26: {  	[smem:$0x3F9F] =	sst s1;
	(tag) =	ssettag s2;
	_ =	strace s9  }
0x27: {  	s1 =	sld [smem:$0x3FAF]  }
0x28: {  	s2 =	sld [smem:$0x3FB0]  }
0x29: {  	s4 =	sld [smem:$0x3FB2]  }
0x2a: {  	p0 =	seq.s32 s5, $0x0;
	s5 =	sld [smem:$0x3FB3]  }
0x2b: {  	s6 =	sld [smem:$0x3FB4]  }
0x2c: {  	s7 =	sld [smem:$0x3FB5]  }
0x2d: {  	s3 =	simm.s32 $0x108;
	s8 =	sld [smem:$0x3FB6]  }
0x2e: {  	s3 =	simm.s32 @!p0 $0x1082;
	s9 =	sld [smem:$0x3FB7]  }
0x2f: {  	lr =	sadd.s32 s0, s3;
	s0 =	sld [smem:$0x3FAE]  }
0x30: {  	s3 =	sld [smem:$0x3FB1]  }
0x31: {  	[smem:$0x3FBA] =	sst s10  }
0x32: {  	s10 =	sld [smem:$0x3FB8];
	_ =	sdelay $0x3  }
0x33: {  	p0 =	seq.s32 s10, $0x1;
	s10 =	sld [smem:$0x3FBA];
	_ =	sdelay $0x3  }
0x34: {  	[smem:$0x3FBA] =	sst s10  }
0x35: {  	s10 =	sld [smem:$0x3FB9];
	_ =	sdelay $0x3  }
0x36: {  	p1 =	seq.s32 s10, $0x1;
	s10 =	sld [smem:$0x3FBA];
	_ =	sdelay $0x3  }
0x37: {  	[smem:$0x3FBA] =	sst s10  }
0x38: {  	s10 =	sld [smem:$0x3FBB]  }
0x39: {  	_ = 	snop;
	(pc) =	sbr.ind lr, $3  }
0x3a: {  	_ = 	snop  }
0x3b: {  	_ = 	snop  }
0x3c: {  	p2 =	seq.s32 s10, $0x1;
	s10 =	sld [smem:$0x3FBA]  }
0x3d: {  	_ =	shalt  }
0x3e: {  	_ =	shalt  }
0x3f: {  	_ =	shalt  }
0x40: {  	_ =	shalt  }
0x41: {  	_ =	shalt  }
0x42: {  	_ =	shalt  }
0x43: {  	_ =	shalt  }
0x44: {  	_ =	shalt  }
0x45: {  	_ =	shalt  }
0x46: {  	_ =	shalt  }
0x47: {  	_ =	shalt  }
0x48: {  	_ =	shalt  }
0x49: {  	_ =	shalt  }
0x4a: {  	_ =	shalt  }
0x4b: {  	_ =	shalt  }
0x4c: {  	_ =	shalt  }
0x4d: {  	_ =	shalt  }
0x4e: {  	_ =	shalt  }
0x4f: {  	_ =	shalt  }
0x50: {  	_ =	shalt  }
0x51: {  	_ =	shalt  }
0x52: {  	_ =	shalt  }
0x53: {  	_ =	shalt  }
0x54: {  	_ =	shalt  }
0x55: {  	_ =	shalt  }
0x56: {  	_ =	shalt  }
0x57: {  	_ =	shalt  }
0x58: {  	_ =	shalt  }
0x59: {  	_ =	shalt  }
0x5a: {  	_ =	shalt  }
0x5b: {  	_ =	shalt  }
0x5c: {  	_ =	shalt  }
0x5d: {  	_ =	shalt  }
0x5e: {  	_ =	shalt  }
0x5f: {  	_ =	shalt  }
0x60: {  	_ =	shalt  }
0x61: {  	_ =	shalt  }
0x62: {  	_ =	shalt  }
0x63: {  	_ =	shalt  }
0x64: {  	_ =	shalt  }
0x65: {  	_ =	shalt  }
0x66: {  	_ =	shalt  }
0x67: {  	_ =	shalt  }
0x68: {  	_ =	shalt  }
0x69: {  	_ =	shalt  }
0x6a: {  	_ =	shalt  }
0x6b: {  	_ =	shalt  }
0x6c: {  	_ =	shalt  }
0x6d: {  	_ =	shalt  }
0x6e: {  	_ =	shalt  }
0x6f: {  	_ =	shalt  }
0x70: {  	_ =	shalt  }
0x71: {  	_ =	shalt  }
0x72: {  	_ =	shalt  }
0x73: {  	_ =	shalt  }
0x74: {  	_ =	shalt  }
0x75: {  	_ =	shalt  }
0x76: {  	_ =	shalt  }
0x77: {  	_ =	shalt  }
0x78: {  	_ =	shalt  }
0x79: {  	_ =	shalt  }
0x7a: {  	_ =	shalt  }
0x7b: {  	_ =	shalt  }
0x7c: {  	_ =	shalt  }
0x7d: {  	_ =	shalt  }
0x7e: {  	_ =	shalt  }
0x7f: {  	_ =	shalt  }
0x80: {  	_ =	shalt  }
0x81: {  	_ =	shalt  }
0x82: {  	_ =	shalt  }
0x83: {  	_ =	shalt  }
0x84: {  	_ =	shalt  }
0x85: {  	_ =	shalt  }
0x86: {  	_ =	shalt  }
0x87: {  	_ =	shalt  }
.Lfunc_end0:
.L_simem_size_0:
called_computation.1_lowered:
.L_overlay_start_0:
0x88: {  	s2 =	sld [smem:$0x3FD9]  }
0x89: {  	s3 =	sld [smem:$0x3FFE];
	_ =	sdelay $0x1  }
0x8a: {  	s1 =	srdreg.scid  }
0x8b: {  	s0 =	sand.u32 $0x1, s1  }
0x8c: {  	s15 =	sshll.u32 s0, $0xA;
	s2 =	sadd.s32 s3, s2  }
0x8d: {  	s2 =	sadd.s32 s2, s15  }
0x8e: {  	[smem:$0x3FC6] =	sst s2  }
0x8f: {  	_ = 	snop  }
0x90: {  	s2 =	sld [smem:$0x3FD0];
	_ =	sdelay $0x2  }
0x91: {  	s4 =	simm.s32 $0xD;
	s16 =	simm.s32 $0x10  }
0x92: {  	[smem:s16], [sflag:s4] =	dma.local [hbm:s2], $0x1  }
0x93: {  	_ =	swait.eq [sflag:s4], $0x1  }
0x94: {  	[sflag:s4] =	ssyncset.done $0x0  }
0x95: {  	s17 =	sld [smem:$0x10];
	[sflag:s4] =	ssyncadd.s32 $0xFFFFFFFF  }
0x96: {  	s18 =	sld [smem:$0x11];
	(tm) =	ssettm $0x1  }
0x97: {  	s19 =	sld [smem:$0x3FFB];
	_ =	sdelay $0x3  }
0x98: {  	_ =	strace s19  }
0x99: {  	s2 =	sld [smem:$0x3FFC];
	_ =	sdelay $0x3  }
0x9a: {  	_ =	strace s2  }
0x9b: {  	s2 =	sld [smem:$0x3FFD];
	_ =	sdelay $0x3  }
0x9c: {  	_ =	strace s2  }
0x9d: {  	_ =	strace $0x8FFFFFFF  }
0x9e: {  	s20 =	sld [smem:$0x3FDB];
	_ =	sdelay $0x1  }
0x9f: {  	s5 =	simm.s32 $_scs_section_size  }
0xa0: {  	s6 =	simm.s32 $_size__tile_overlayer_lowered;
	s7 =	simm.s32 $_tile_overlayer_lowered  }
0xa1: {  	s8 =	simm.s32 $0x1BFF;
	s21 =	sshll.u32 s7, $0x1;
	s5 =	sadd.s32 s5, s20  }
0xa2: {  	s22 =	simm.s32 $0x0;
	s6 =	sshll.u32 s6, $0x1;
	s7 =	sadd.s32 s21, s5  }
0xa3: {  	[timem:s22], [sflag:s8] =	dma.local [hbm:s7], s6  }
0xa4: {  	_ =	swait.ge [sflag:s8], s6  }
0xa5: {  	s6 =	ssub.s32 $0x0, s6;
	[sflag:s8] =	ssyncset.done $0x0  }
0xa6: {  	[sflag:s8] =	ssyncadd.s32 s6;
	_ =	sdelay $0x1  }
0xa7: {  	s23 =	simm.s32 $0x1B8B  }
0xa8: {  	_ =	swait.ge [sflag:s23], $0x1  }
0xa9: {  	[sflag:s23] =	ssyncset.done $0x0  }
0xaa: {  	[sflag:s23] =	ssyncadd.s32 $0xFFFFFFFF  }
0xab: {  	s6 =	sld [smem:$0x0]  }
0xac: {  	s7 =	sand.u32 $0xFFFFFFFE, s1  }
0xad: {  	p0 =	sne.s32 s1, s7  }
0xae: {  	s7 =	sshll.u32 @p0 s7, $0xE  }
0xaf: {  	s7 =	sadd.s32 @p0 $0x11B8D, s7;
	s8 =	sshll.u32 @p0 s6, $0x11  }
0xb0: {  	s7 =	sor.u32 @p0 s8, s7  }
0xb1: {  	[sflag:s7] =	ssyncadd.remote.s32 @p0 $0x1;
	_ =	sdelay $0x1  }
0xb2: {  	s7 =	simm.s32 @p0 $0x1B8D  }
0xb3: {  	_ =	swait.eq @p0 [sflag:s7], $0x1  }
0xb4: {  	[sflag:s7] =	ssyncadd.s32 @p0 $0xFFFFFFFF  }
0xb5: {  	s8 =	sshll.u32 @!p0 s1, $0xE  }
0xb6: {  	s8 =	sor.u32 @!p0 $0x4000, s8;
	s7 =	simm.s32 @!p0 $0x1B8D  }
0xb7: {  	s6 =	sshll.u32 @!p0 s6, $0x11;
	s8 =	sadd.s32 @!p0 $0x11B8D, s8;
	_ =	swait.eq @!p0 [sflag:s7], $0x1  }
0xb8: {  	s6 =	sor.u32 @!p0 s6, s8;
	[sflag:s7] =	ssyncadd.s32 @!p0 $0xFFFFFFFF  }
0xb9: {  	s25 =	simm.s32 $0x1B8E;
	s24 =	sld [smem:$0x3FFE];
	[sflag:s6] =	ssyncadd.remote.s32 @!p0 $0x1  }
0xba: {  	s26 =	simm.s32 $execute0_lowered;
	[smem:$0x3FD2] =	sst s25  }
0xbb: {  	s7 =	sshll.u32 s26, $0x1;
	_ =	strace $0x8000004F;
	[dreg:$0x1] =	wrdreg $0xFFFFFFFF  }
0xbc: {  	s28 =	simm.s32 $_size_execute0_lowered;
	s5 =	sadd.s32 s5, s7;
	[dreg:$0x0] =	wrdreg $0x0  }
0xbd: {  	s7 =	sshll.u32 s28, $0x1;
	[dreg:$0x2] =	wrdreg s5  }
0xbe: {  	[dreg:$0x3] =	wrdreg s7  }
0xbf: {  	[dreg:$0x4] =	wrdreg $0xC0  }
0xc0: {  	_ =	task [dreg:s22], $0x5FFFF  }
0xc1: {  	[dreg:$0x1] =	wrdreg $0xFFFFFFFF  }
0xc2: {  	[dreg:$0x0] =	wrdreg $0x60  }
0xc3: {  	[dreg:$0x2] =	wrdreg s24  }
0xc4: {  	[dreg:$0x3] =	wrdreg s18  }
0xc5: {  	[dreg:$0x4] =	wrdreg s17  }
0xc6: {  	[dreg:$0x5] =	wrdreg $0xA  }
0xc7: {  	_ =	task.clear_ibuf [dreg:s22], $0x6FFFF;
	_ =	strace $0x9000004F  }
0xc8: {  	s29 =	simm.s32 $0xA;
	_ =	strace $0x80000051  }
0xc9: {  	_ =	swait.ge [sflag:s29], $0x1  }
0xca: {  	[sflag:s29] =	ssyncadd.s32 $0xFFFFFFFF  }
0xcb: {  	_ =	strace $0x90000051  }
0xcc: {  	_ =	sfence  }
0xcd: {  	s30 =	sld [smem:$0x0];
	_ =	sdelay $0x2  }
0xce: {  	s31 =	sshll.u32 s1, $0xD;
	s1 =	sshrl.u32 s1, $0x2  }
0xcf: {  	s4 =	sand.u32 $0x4000, s31;
	s1 =	sadd.s32 s1, s30  }
0xd0: {  	s0 =	sor.u32 s4, s0;
	s1 =	sshll.u32 s1, $0x11  }
0xd1: {  	s0 =	sor.u32 s1, s0  }
0xd2: {  	s0 =	sadd.s32 $0x8F2B, s0  }
0xd3: {  	[sflag:s0] =	ssyncadd.remote.s32 $0x1  }
0xd4: {  	_ =	sfence.sel $0xFFFF  }
0xd5: {  	[dreg:$0x0] =	wrdreg $0xFFFFFFFF;
	(pc) =	sbr.abs _section_cstart, $3  }
0xd6: {  	[dreg:$0x1] =	wrdreg $0xFFFFFFFF  }
0xd7: {  	_ =	task.clear_ibuf [dreg:s22], $0x2FFFF;
	_ =	strace $0x9FFFFFFF  }
0xd8: {  	(tm) =	ssettm $0x7FFFFFFF  }
0xd9: {  	_ =	shalt  }
tec
execute0_lowered:
.L_overlay_start_1:
0x0: {  	(tag) =	ssettag $0x1  }
0x1: {  	s3 =	rddreg [dreg:$0x0]  }
0x2: {  	s4 =	rddreg [dreg:$0x1]  }
0x3: {  	s5 =	rddreg [dreg:$0x2]  }
0x4: {  	s0 =	rddreg [dreg:$0x3];
	s6 =	srdreg.scid  }
0x5: {  	s1 =	stileid.u32;
	s2 =	simm.s32 $0x0;
	s9 =	simm.s32 $0x4800  }
0x6: {  	s10 =	simm.s32 $0x0;
	s6 =	sand.u32 $0x1, s6;
	s7 =	sshll.u32 s1, $0x1  }
0x7: {  	[smem:$0x7FF] =	sst s2;
	s7 =	sor.u32 s6, s7;
	s6 =	ssub.s32 $0x2, s6  }
0x8: {  	_ =	strace $0x80000050;
	s8 =	sshll.u32 s7, $0xB;
	s31 =	sshrl.u32 s6, $0x1  }
0x9: {  	s7 =	sshll.u32 s7, $0x8;
	s3 =	sadd.s32 s8, s3;
	s6 =	ssub.s32 s6, s31  }
0xa: {  	v0 =	vlaneseq.u32;
	vm0 =	vmmov $0xff;
	s4 =	sadd.s32 s4, s7;
	s5 =	sadd.s32 s5, s7;
	s7 =	simm.s32 $0x1  }
0xb: {  	v1 =	vor.u32 $0x10, v0;
	v2 =	vor.u32 $0x20, v0;
	v3 =	vor.u32 $0x30, v0;
	s8 =	simm.s32 $0x4000;
	s3 =	sadd.s32 $0x3F400, s3;
	s6 =	smax.u32 s6, $0x1  }
.LBB2_1:
0xc: {  	[tilespmem:s2], [sflag:$0x1] =	stream.linear.gather [hbm4b:s3+s2], $0x4000, $0x38;
	[tilespmem:$0x5000] =	vst v63  }
0xd: {  	_ =	swait.ge [sflag:s7], $0x4000  }
0xe: {  	[sflag:s7] =	ssyncset.done $0x0  }
0xf: {  	s12 =	simm.s32 $0x20;
	[sflag:s7] =	ssyncadd.s32 $0xFFFFC000  }
0x10: {  	v4 =	vld [tilespmem:s12+$0x10]  }
0x11: {  	v5 =	vld [tilespmem:s12+$0x0]  }
0x12: {  	v6 =	vld [tilespmem:s12+$0xFFFFFFF0]  }
0x13: {  	s13 =	simm.s32 $0x40;
	s11 =	simm.s32 $0x0;
	v7 =	vld [tilespmem:s12+$0xFFFFFFE0]  }
.LBB2_2:
0x14: {  	p0 =	sne.s32 s13, $0x1FC0  }
0x15: {  	(xrf1) =	vsort.ascd.msk.f32 $0xffff, v4, v3  }
0x16: {  	(xrf1) =	vsort.dscd.msk.f32 $0xffff, v5, v2  }
0x17: {  	(xrf1) =	vsort.ascd.msk.f32 $0xffff, v6, v1  }
0x18: {  	(xrf1) =	vsort.dscd.msk.f32 $0xffff, v7, v0;
	_ =	sdelay $0xa  }
0x19: {  	v4, v5, _ =	vpop (xrf1)  }
0x1a: {  	v6, v7, _ =	vpop (xrf1)  }
0x1b: {  	v8, v9, _ =	vpop (xrf1)  }
0x1c: {  	v4 =	vsel vm0, v6, v4;
	v5 =	vsel vm0, v7, v5;
	v6, v7, _ =	vpop (xrf1)  }
0x1d: {  	v6 =	vsel vm0, v6, v8;
	v7 =	vsel vm0, v7, v9;
	(xrf1) =	vsort.ascd.msk.f32 $0xffff, v4, v5  }
0x1e: {  	(xrf1) =	vsort.dscd.msk.f32 $0xffff, v6, v7;
	_ =	sdelay $0xc  }
0x1f: {  	v4, v5, _ =	vpop (xrf1)  }
0x20: {  	v6, v7, _ =	vpop (xrf1)  }
0x21: {  	v4 =	vsel vm0, v6, v4;
	v5 =	vsel vm0, v7, v5  }
0x22: {  	(xrf1) =	vsort.dscd.msk.f32 $0xffff, v4, v5;
	_ =	sdelay $0xd  }
0x23: {  	s14 =	sshra.s32 s11, $0x2;
	s11 =	smov.u32 s13;
	v4, v5, _ =	vpop (xrf1)  }
0x24: {  	[tilespmem:s14+$0x4000] =	vst v5;
	(xrf0) =	vmax.scan.msk.f32 $0xffff, v4;
	_ =	sdelay $0x5  }
0x25: {  	v5, _, _ =	vpop (xrf0)  }
0x26: {  	v5 =	vbroadcast v5, $0xF;
	_ =	sdelay $0x1  }
0x27: {  	v4 =	vsub.f32 v4, v5;
	_ =	sdelay $0x1  }
0x28: {  	v4 =	vmul.f32 $1.442695020e+00, v4;
	_ =	sdelay $0x1  }
0x29: {  	(erf) = vpow2.f32 v4;
	_ =	sdelay $0x8  }
0x2a: {  	v4 =	vpop (erf)  }
0x2b: {  	v4 =	vnsel vm0, $0x0, v4  }
0x2c: {  	(xrf2) =	vadd.scan.msk.f32 $0xffff, v4;
	_ =	sdelay $0x9  }
0x2d: {  	v5, _, _ =	vpop (xrf2)  }
0x2e: {  	v5 =	vadd.f32 $0.0e+00, v5;
	_ =	sdelay $0x1  }
0x2f: {  	v5 =	vbroadcast v5, $0xF;
	_ =	sdelay $0x1  }
0x30: {  	(erf) = vrcp.f32 v5;
	_ =	sdelay $0x8  }
0x31: {  	v5 =	vpop (erf)  }
0x32: {  	v4 =	vmul.f32 v5, v4;
	_ =	sdelay $0x1  }
.Ltmp0:
0x33: {  	s12 =	sadd.s32 $0x80, s12;
	[tilespmem:s14+$0x4800] =	vst v4;
	(pc) =	sbr.rel @p0 .LBB2_2-.Ltmp0, $4  }
0x34: {  	v4 =	vld [tilespmem:s12+$0x10]  }
0x35: {  	v5 =	vld [tilespmem:s12+$0x0]  }
0x36: {  	v6 =	vld [tilespmem:s12+$0xFFFFFFF0]  }
0x37: {  	s13 =	sadd.s32 $0x40, s13;
	v7 =	vld [tilespmem:s12+$0xFFFFFFE0]  }
0x38: {  	_ = 	snop  }
0x39: {  	(xrf1) =	vsort.ascd.msk.f32 $0xffff, v4, v3  }
0x3a: {  	(xrf1) =	vsort.dscd.msk.f32 $0xffff, v5, v2  }
0x3b: {  	(xrf1) =	vsort.ascd.msk.f32 $0xffff, v6, v1  }
0x3c: {  	(xrf1) =	vsort.dscd.msk.f32 $0xffff, v7, v0;
	_ =	sdelay $0xa  }
0x3d: {  	v4, v5, _ =	vpop (xrf1)  }
0x3e: {  	v58, v59, _ =	vpop (xrf1)  }
0x3f: {  	v8, v9, _ =	vpop (xrf1)  }
0x40: {  	v4 =	vsel vm0, v58, v4;
	v5 =	vsel vm0, v59, v5;
	v60, v61, _ =	vpop (xrf1)  }
0x41: {  	(xrf1) =	vsort.ascd.msk.f32 $0xffff, v4, v5;
	v6 =	vsel vm0, v60, v8;
	v7 =	vsel vm0, v61, v9  }
0x42: {  	(xrf1) =	vsort.dscd.msk.f32 $0xffff, v6, v7;
	_ =	sdelay $0xc  }
0x43: {  	v4, v5, _ =	vpop (xrf1)  }
0x44: {  	v6, v7, _ =	vpop (xrf1)  }
0x45: {  	v4 =	vsel vm0, v6, v4;
	v5 =	vsel vm0, v7, v5  }
0x46: {  	(xrf1) =	vsort.dscd.msk.f32 $0xffff, v4, v5;
	_ =	sdelay $0xd  }
0x47: {  	v4, v5, _ =	vpop (xrf1)  }
0x48: {  	(xrf0) =	vmax.scan.msk.f32 $0xffff, v4;
	_ =	sdelay $0x5  }
0x49: {  	v62, _, _ =	vpop (xrf0)  }
0x4a: {  	v6 =	vbroadcast v62, $0xF;
	_ =	sdelay $0x1  }
0x4b: {  	v4 =	vsub.f32 v4, v6;
	_ =	sdelay $0x1  }
0x4c: {  	v4 =	vmul.f32 $1.442695020e+00, v4;
	_ =	sdelay $0x1  }
0x4d: {  	(erf) = vpow2.f32 v4;
	_ =	sdelay $0x8  }
0x4e: {  	v4 =	vpop (erf)  }
0x4f: {  	v4 =	vnsel vm0, $0x0, v4  }
0x50: {  	(xrf2) =	vadd.scan.msk.f32 $0xffff, v4;
	_ =	sdelay $0x9  }
0x51: {  	v63, _, _ =	vpop (xrf2)  }
0x52: {  	v6 =	vadd.f32 $0.0e+00, v63;
	_ =	sdelay $0x1  }
0x53: {  	v6 =	vbroadcast v6, $0xF;
	_ =	sdelay $0x1  }
0x54: {  	(erf) = vrcp.f32 v6;
	_ =	sdelay $0x8  }
0x55: {  	v6 =	vpop (erf)  }
0x56: {  	s11 =	sshra.s32 s11, $0x2;
	v4 =	vmul.f32 v6, v4  }
0x57: {  	[tilespmem:s11+$0x4000] =	vst v5  }
0x58: {  	[tilespmem:s11+$0x4800] =	vst v4  }
0x59: {  	[hbm4b:s4+s2] =	stream.linear.scatter [tilespmem:s8], [sflag:$0x1], $0x800, $0x38;
	[tilespmem:$0x5000] =	vst v63  }
0x5a: {  	s10 =	sadd.s32 $0x1, s10;
	_ =	swait.ge [sflag:s7], $0x800  }
0x5b: {  	p0 =	sne.s32 s10, s6;
	[sflag:s7] =	ssyncset.done $0x0  }
.Ltmp1:
0x5c: {  	[sflag:s7] =	ssyncadd.s32 $0xFFFFF800;
	(pc) =	sbr.rel @p0 .LBB2_1-.Ltmp1, $4  }
0x5d: {  	[hbm4b:s5+s2] =	stream.linear.scatter [tilespmem:s9], [sflag:$0x1], $0x800, $0x38;
	[tilespmem:$0x5000] =	vst v63  }
0x5e: {  	_ =	swait.ge [sflag:s7], $0x800  }
0x5f: {  	[sflag:s7] =	ssyncset.done $0x0  }
0x60: {  	[sflag:s7] =	ssyncadd.s32 $0xFFFFF800  }
0x61: {  	_ =	sfence.sel $0x180000  }
0x62: {  	[bflag:$0x0] =	sbarrier.arrive $0xFFFF  }
0x63: {  	p0 =	sne.s32 s1, $0x0;
	_ =	strace $0x90000050  }
0x64: {  	s0 =	sadd.s32 @!p0 $0x100000, s0;
	[bflag:$0x2] =	sbarrier.arrive $0xFFFF  }
0x65: {  	[sflag:s0] =	ssyncadd.tile.s32 @!p0 $0x1;
	_ =	shalt  }
.Lfunc_end2:
_tile_overlayer_lowered:
.L_overlay_start_2:
0x66: {  	(tag) =	ssettag $0x2  }
0x67: {  	s0 =	rddreg [dreg:$0x0];
	s2 =	stileid.u32  }
0x68: {  	s1 =	rddreg [dreg:$0x1];
	p0 =	sne.s32 s2, $0x0  }
0x69: {  	s3 =	rddreg [dreg:$0x2];
	[bflag:$0x3] =	sbarrier.arrive $0xFFFF;
	s2 =	simm.s32 @!p0 $0x1C01  }
0x6a: {  	[timem:s3], [sflag:s2] =	dma.local @!p0 [hbm:s0], s1  }
0x6b: {  	s0 =	simm.s32 @!p0 $0x1  }
0x6c: {  	_ =	swait.ge @!p0 [sflag:s0], s1  }
0x6d: {  	s1 =	ssub.s32 @!p0 $0x0, s1;
	[sflag:s0] =	ssyncset.done @!p0 $0x0  }
0x6e: {  	[sflag:s0] =	ssyncadd.s32 @!p0 s1  }
0x6f: {  	[bflag:$0x3] =	sbarrier.arrive $0xFFFF  }
0x70: {  	_ =	shalt  }

// kernel: kernel.16.cloned.1.call-start
scs
__scs_entry_jumppad:
0x0: {  	(pc) =	sbr.rel $0x88, $3  }
0x1: {  	(tag) =	ssettag $0x0;
	lr =	simm.s32 $0x1  }
0x2: {  	[smem:$0x3F9F] =	sst lr;
	_ =	strace $0xD0000000  }
0x3: {  	_ = 	snop  }
0x4: {  	_ = 	snop  }
0x5: {  	_ = 	snop  }
0x6: {  	_ = 	snop  }
0x7: {  	_ = 	snop  }
__scs_overlays_trampoline_lowered:
0x8: {  	[smem:$0x3FAE] =	sst s0  }
0x9: {  	[smem:$0x3FAF] =	sst s1  }
0xa: {  	[smem:$0x3FB0] =	sst s2  }
0xb: {  	[smem:$0x3FB1] =	sst s3  }
0xc: {  	[smem:$0x3FB2] =	sst s4  }
0xd: {  	[smem:$0x3FB3] =	sst s5  }
0xe: {  	[smem:$0x3FB4] =	sst s6  }
0xf: {  	[smem:$0x3FB5] =	sst s7  }
0x10: {  	[smem:$0x3FB6] =	sst s8  }
0x11: {  	[smem:$0x3FB7] =	sst s9;
	s0 =	simm.s32 @!p0 $0x0  }
0x12: {  	s1 =	sld [smem:$0x3F9D];
	s0 =	simm.s32 @p0 $0x1  }
0x13: {  	[smem:$0x3FB8] =	sst s0;
	s0 =	simm.s32 @!p1 $0x0  }
0x14: {  	s2 =	sld [smem:$0x3F9C];
	s0 =	simm.s32 @p1 $0x1  }
0x15: {  	[smem:$0x3FB9] =	sst s0;
	s0 =	simm.s32 @!p2 $0x0  }
0x16: {  	s3 =	sld [smem:$0x3FDB];
	s0 =	simm.s32 @p2 $0x1  }
0x17: {  	s4 =	simm.s32 $0x1BF5;
	[smem:$0x3FBB] =	sst s0  }
0x18: {  	s0 =	sld [smem:$0x3F9E];
	_ =	swait.ge [sflag:s4], $0x0  }
0x19: {  	s7 =	sld [smem:$0x3F9F]  }
0x1a: {  	s8 =	sadd.s32 $0xFFFFE003, lr  }
0x1b: {  	s9 =	sadd.s32 $0xFFFFFEF7, lr;
	s5 =	simm.s32 $0xFFFFFFFF;
	p2 =	slt.u32 s8, $0xFFFFF086  }
0x1c: {  	p1 =	slt.u32 s9, $0xF7A;
	s5 =	simm.s32 @!p2 $0x0  }
0x1d: {  	s5 =	simm.s32 @p1 $0x1;
	p0 =	seq.s32 s7, s2  }
0x1e: {  	s7 =	smul.u32 @!p0 $0xF7A, s2;
	p2 =	seq.s32 @!p0 s5, $0x0  }
0x1f: {  	s9 =	smul.u32 $0xF7A, s1;
	s8 =	simm.s32 @!p0 $0x1BF5;
	p2 =	por !p2, p0  }
0x20: {  	[sflag:s8] =	ssyncset.s32 @!p0 $0xFFFFF086;
	s6 =	sadd.s32 @!p0 s3, s7;
	s7 =	simm.s32 @!p0 $0x108  }
0x21: {  	s3 =	sadd.s32 s3, s9;
	s6 =	sadd.s32 @!p0 $0x88, s6;
	s7 =	simm.s32 @p2 $0x1082  }
0x22: {  	[simem:s7], [sflag:s8] =	dma.local @!p0 [hbm:s6], $0xF7A  }
0x23: {  	s9 =	sor.u32 $0xD0000000, s2;
	s6 =	simm.s32 $0x108;
	_ =	swait.ge @!p0 [sflag:s8], $0x0  }
0x24: {  	s3 =	sadd.s32 $0x88, s3;
	s6 =	simm.s32 @!p1 $0x1082;
	[sflag:s4] =	ssyncset.s32 $0xFFFFF086  }
0x25: {  	[simem:s6], [sflag:s4] =	dma.local [hbm:s3], $0xF7A  }
0x26: {  	[smem:$0x3F9F] =	sst s1;
	(tag) =	ssettag s2;
	_ =	strace s9  }
0x27: {  	s1 =	sld [smem:$0x3FAF]  }
0x28: {  	s2 =	sld [smem:$0x3FB0]  }
0x29: {  	s4 =	sld [smem:$0x3FB2]  }
0x2a: {  	p0 =	seq.s32 s5, $0x0;
	s5 =	sld [smem:$0x3FB3]  }
0x2b: {  	s6 =	sld [smem:$0x3FB4]  }
0x2c: {  	s7 =	sld [smem:$0x3FB5]  }
0x2d: {  	s3 =	simm.s32 $0x108;
	s8 =	sld [smem:$0x3FB6]  }
0x2e: {  	s3 =	simm.s32 @!p0 $0x1082;
	s9 =	sld [smem:$0x3FB7]  }
0x2f: {  	lr =	sadd.s32 s0, s3;
	s0 =	sld [smem:$0x3FAE]  }
0x30: {  	s3 =	sld [smem:$0x3FB1]  }
0x31: {  	[smem:$0x3FBA] =	sst s10  }
0x32: {  	s10 =	sld [smem:$0x3FB8];
	_ =	sdelay $0x3  }
0x33: {  	p0 =	seq.s32 s10, $0x1;
	s10 =	sld [smem:$0x3FBA];
	_ =	sdelay $0x3  }
0x34: {  	[smem:$0x3FBA] =	sst s10  }
0x35: {  	s10 =	sld [smem:$0x3FB9];
	_ =	sdelay $0x3  }
0x36: {  	p1 =	seq.s32 s10, $0x1;
	s10 =	sld [smem:$0x3FBA];
	_ =	sdelay $0x3  }
0x37: {  	[smem:$0x3FBA] =	sst s10  }
0x38: {  	s10 =	sld [smem:$0x3FBB]  }
0x39: {  	_ = 	snop;
	(pc) =	sbr.ind lr, $3  }
0x3a: {  	_ = 	snop  }
0x3b: {  	_ = 	snop  }
0x3c: {  	p2 =	seq.s32 s10, $0x1;
	s10 =	sld [smem:$0x3FBA]  }
0x3d: {  	_ =	shalt  }
0x3e: {  	_ =	shalt  }
0x3f: {  	_ =	shalt  }
0x40: {  	_ =	shalt  }
0x41: {  	_ =	shalt  }
0x42: {  	_ =	shalt  }
0x43: {  	_ =	shalt  }
0x44: {  	_ =	shalt  }
0x45: {  	_ =	shalt  }
0x46: {  	_ =	shalt  }
0x47: {  	_ =	shalt  }
0x48: {  	_ =	shalt  }
0x49: {  	_ =	shalt  }
0x4a: {  	_ =	shalt  }
0x4b: {  	_ =	shalt  }
0x4c: {  	_ =	shalt  }
0x4d: {  	_ =	shalt  }
0x4e: {  	_ =	shalt  }
0x4f: {  	_ =	shalt  }
0x50: {  	_ =	shalt  }
0x51: {  	_ =	shalt  }
0x52: {  	_ =	shalt  }
0x53: {  	_ =	shalt  }
0x54: {  	_ =	shalt  }
0x55: {  	_ =	shalt  }
0x56: {  	_ =	shalt  }
0x57: {  	_ =	shalt  }
0x58: {  	_ =	shalt  }
0x59: {  	_ =	shalt  }
0x5a: {  	_ =	shalt  }
0x5b: {  	_ =	shalt  }
0x5c: {  	_ =	shalt  }
0x5d: {  	_ =	shalt  }
0x5e: {  	_ =	shalt  }
0x5f: {  	_ =	shalt  }
0x60: {  	_ =	shalt  }
0x61: {  	_ =	shalt  }
0x62: {  	_ =	shalt  }
0x63: {  	_ =	shalt  }
0x64: {  	_ =	shalt  }
0x65: {  	_ =	shalt  }
0x66: {  	_ =	shalt  }
0x67: {  	_ =	shalt  }
0x68: {  	_ =	shalt  }
0x69: {  	_ =	shalt  }
0x6a: {  	_ =	shalt  }
0x6b: {  	_ =	shalt  }
0x6c: {  	_ =	shalt  }
0x6d: {  	_ =	shalt  }
0x6e: {  	_ =	shalt  }
0x6f: {  	_ =	shalt  }
0x70: {  	_ =	shalt  }
0x71: {  	_ =	shalt  }
0x72: {  	_ =	shalt  }
0x73: {  	_ =	shalt  }
0x74: {  	_ =	shalt  }
0x75: {  	_ =	shalt  }
0x76: {  	_ =	shalt  }
0x77: {  	_ =	shalt  }
0x78: {  	_ =	shalt  }
0x79: {  	_ =	shalt  }
0x7a: {  	_ =	shalt  }
0x7b: {  	_ =	shalt  }
0x7c: {  	_ =	shalt  }
0x7d: {  	_ =	shalt  }
0x7e: {  	_ =	shalt  }
0x7f: {  	_ =	shalt  }
0x80: {  	_ =	shalt  }
0x81: {  	_ =	shalt  }
0x82: {  	_ =	shalt  }
0x83: {  	_ =	shalt  }
0x84: {  	_ =	shalt  }
0x85: {  	_ =	shalt  }
0x86: {  	_ =	shalt  }
0x87: {  	_ =	shalt  }
.Lfunc_end0:
.L_simem_size_0:
called_computation.2_lowered:
.L_overlay_start_0:
0x88: {  	s2 =	sld [smem:$0x3FD9]  }
0x89: {  	s3 =	sld [smem:$0x3FFE];
	_ =	sdelay $0x1  }
0x8a: {  	s1 =	srdreg.scid  }
0x8b: {  	s0 =	sand.u32 $0x1, s1  }
0x8c: {  	s17 =	sshll.u32 s0, $0xA;
	s2 =	sadd.s32 s3, s2  }
0x8d: {  	s2 =	sadd.s32 s2, s17  }
0x8e: {  	[smem:$0x3FC6] =	sst s2  }
0x8f: {  	_ = 	snop  }
0x90: {  	(tm) =	ssettm $0x1  }
0x91: {  	s18 =	sld [smem:$0x3FFB];
	_ =	sdelay $0x3  }
0x92: {  	_ =	strace s18  }
0x93: {  	s2 =	sld [smem:$0x3FFC];
	_ =	sdelay $0x3  }
0x94: {  	_ =	strace s2  }
0x95: {  	s2 =	sld [smem:$0x3FFD];
	_ =	sdelay $0x3  }
0x96: {  	_ =	strace s2  }
0x97: {  	_ =	strace $0x8FFFFFFF  }
0x98: {  	s19 =	sld [smem:$0x3FDB];
	_ =	sdelay $0x1  }
0x99: {  	s20 =	simm.s32 $_scs_section_size  }
0x9a: {  	s4 =	simm.s32 $_size__tile_overlayer_lowered;
	s5 =	simm.s32 $_tile_overlayer_lowered  }
0x9b: {  	s6 =	simm.s32 $0x1BFF;
	s21 =	sshll.u32 s5, $0x1;
	s3 =	sadd.s32 s20, s19  }
0x9c: {  	s22 =	simm.s32 $0x0;
	s4 =	sshll.u32 s4, $0x1;
	s5 =	sadd.s32 s21, s3  }
0x9d: {  	[timem:s22], [sflag:s6] =	dma.local [hbm:s5], s4  }
0x9e: {  	_ =	swait.ge [sflag:s6], s4  }
0x9f: {  	s4 =	ssub.s32 $0x0, s4;
	[sflag:s6] =	ssyncset.done $0x0  }
0xa0: {  	[sflag:s6] =	ssyncadd.s32 s4;
	_ =	sdelay $0x1  }
0xa1: {  	s23 =	simm.s32 $0x1B8B  }
0xa2: {  	_ =	swait.ge [sflag:s23], $0x1  }
0xa3: {  	[sflag:s23] =	ssyncset.done $0x0  }
0xa4: {  	[sflag:s23] =	ssyncadd.s32 $0xFFFFFFFF  }
0xa5: {  	s4 =	sld [smem:$0x0]  }
0xa6: {  	s5 =	sand.u32 $0xFFFFFFFE, s1  }
0xa7: {  	p0 =	sne.s32 s1, s5  }
0xa8: {  	s5 =	sshll.u32 @p0 s5, $0xE  }
0xa9: {  	s5 =	sadd.s32 @p0 $0x11B8D, s5;
	s6 =	sshll.u32 @p0 s4, $0x11  }
0xaa: {  	s5 =	sor.u32 @p0 s6, s5  }
0xab: {  	[sflag:s5] =	ssyncadd.remote.s32 @p0 $0x1;
	_ =	sdelay $0x1  }
0xac: {  	s5 =	simm.s32 @p0 $0x1B8D  }
0xad: {  	_ =	swait.eq @p0 [sflag:s5], $0x1  }
0xae: {  	[sflag:s5] =	ssyncadd.s32 @p0 $0xFFFFFFFF  }
0xaf: {  	s6 =	sshll.u32 @!p0 s1, $0xE  }
0xb0: {  	s6 =	sor.u32 @!p0 $0x4000, s6;
	s5 =	simm.s32 @!p0 $0x1B8D  }
0xb1: {  	s4 =	sshll.u32 @!p0 s4, $0x11;
	s6 =	sadd.s32 @!p0 $0x11B8D, s6;
	_ =	swait.eq @!p0 [sflag:s5], $0x1  }
0xb2: {  	s4 =	sor.u32 @!p0 s4, s6;
	[sflag:s5] =	ssyncadd.s32 @!p0 $0xFFFFFFFF  }
0xb3: {  	s25 =	simm.s32 $0x1B8E;
	s24 =	sld [smem:$0x3FFE];
	[sflag:s4] =	ssyncadd.remote.s32 @!p0 $0x1  }
0xb4: {  	s26 =	simm.s32 $execute0_lowered;
	[smem:$0x3FD2] =	sst s25  }
0xb5: {  	s5 =	sshll.u32 s26, $0x1;
	_ =	strace $0x8000004C;
	[dreg:$0x1] =	wrdreg $0xFFFFFFFF  }
0xb6: {  	s28 =	simm.s32 $_size_execute0_lowered;
	s3 =	sadd.s32 s3, s5;
	[dreg:$0x0] =	wrdreg $0x0  }
0xb7: {  	s5 =	sshll.u32 s28, $0x1;
	[dreg:$0x2] =	wrdreg s3  }
0xb8: {  	[dreg:$0x3] =	wrdreg s5  }
0xb9: {  	[dreg:$0x4] =	wrdreg $0xC0  }
0xba: {  	_ =	task [dreg:s22], $0x5FFFF  }
0xbb: {  	[dreg:$0x1] =	wrdreg $0xFFFFFFFF  }
0xbc: {  	[dreg:$0x0] =	wrdreg $0x60  }
0xbd: {  	[dreg:$0x2] =	wrdreg s24  }
0xbe: {  	[dreg:$0x3] =	wrdreg $0xB  }
0xbf: {  	_ =	task.clear_ibuf [dreg:s22], $0x4FFFF;
	_ =	strace $0x9000004C  }
0xc0: {  	s29 =	simm.s32 $0xB;
	_ =	strace $0x8000004E  }
0xc1: {  	_ =	swait.ge [sflag:s29], $0x1  }
0xc2: {  	[sflag:s29] =	ssyncadd.s32 $0xFFFFFFFF  }
0xc3: {  	_ =	strace $0x9000004E  }
0xc4: {  	_ =	sfence  }
0xc5: {  	s30 =	sld [smem:$0x0];
	_ =	sdelay $0x2  }
0xc6: {  	s31 =	sshll.u32 s1, $0xD;
	s1 =	sshrl.u32 s1, $0x2  }
0xc7: {  	s4 =	sand.u32 $0x4000, s31;
	s1 =	sadd.s32 s1, s30  }
0xc8: {  	s0 =	sor.u32 s4, s0;
	s1 =	sshll.u32 s1, $0x11  }
0xc9: {  	s0 =	sor.u32 s1, s0  }
0xca: {  	s0 =	sadd.s32 $0x8F2B, s0  }
0xcb: {  	[sflag:s0] =	ssyncadd.remote.s32 $0x1  }
0xcc: {  	_ =	sfence.sel $0xFFFF  }
0xcd: {  	[dreg:$0x0] =	wrdreg $0xFFFFFFFF;
	(pc) =	sbr.abs _section_cstart, $3  }
0xce: {  	[dreg:$0x1] =	wrdreg $0xFFFFFFFF  }
0xcf: {  	_ =	task.clear_ibuf [dreg:s22], $0x2FFFF;
	_ =	strace $0x9FFFFFFF  }
0xd0: {  	(tm) =	ssettm $0x7FFFFFFF  }
0xd1: {  	_ =	shalt  }
tec
execute0_lowered:
.L_overlay_start_1:
0x0: {  	(tag) =	ssettag $0x1  }
0x1: {  	s3 =	rddreg [dreg:$0x0]  }
0x2: {  	s0 =	rddreg [dreg:$0x1];
	s2 =	simm.s32 $0x0;
	s4 =	srdreg.scid  }
0x3: {  	s1 =	stileid.u32;
	s8 =	simm.s32 $0x4000;
	s9 =	simm.s32 $0x4800  }
0x4: {  	[smem:$0x7FF] =	sst s2;
	s4 =	sand.u32 $0x1, s4;
	s5 =	sshll.u32 s1, $0x1  }
0x5: {  	s10 =	simm.s32 $0x0;
	_ =	strace $0x8000004D;
	s5 =	sor.u32 s4, s5  }
0x6: {  	s4 =	ssub.s32 $0x2, s4;
	s6 =	sshll.u32 s5, $0xB;
	s5 =	sshll.u32 s5, $0x8  }
0x7: {  	s31 =	sshrl.u32 s4, $0x1;
	s6 =	sadd.s32 s6, s3;
	s5 =	sadd.s32 s5, s3  }
0x8: {  	v0 =	vlaneseq.u32;
	vm0 =	vmmov $0xff;
	s7 =	ssub.s32 s4, s31;
	s3 =	sadd.s32 $0x2B400, s6;
	s4 =	sadd.s32 $0x3B400, s5  }
0x9: {  	v1 =	vor.u32 $0x10, v0;
	v2 =	vor.u32 $0x20, v0;
	v3 =	vor.u32 $0x30, v0;
	s5 =	sadd.s32 $0x3D400, s5;
	s6 =	smax.u32 s7, $0x1;
	s7 =	simm.s32 $0x1  }
.LBB2_1:
0xa: {  	[tilespmem:s2], [sflag:$0x1] =	stream.linear.gather [hbm4b:s3+s2], $0x4000, $0x38;
	[tilespmem:$0x5000] =	vst v63  }
0xb: {  	_ =	swait.ge [sflag:s7], $0x4000  }
0xc: {  	[sflag:s7] =	ssyncset.done $0x0  }
0xd: {  	s12 =	simm.s32 $0x20;
	[sflag:s7] =	ssyncadd.s32 $0xFFFFC000  }
0xe: {  	v4 =	vld [tilespmem:s12+$0x10]  }
0xf: {  	v5 =	vld [tilespmem:s12+$0x0]  }
0x10: {  	v6 =	vld [tilespmem:s12+$0xFFFFFFF0]  }
0x11: {  	s13 =	simm.s32 $0x40;
	s11 =	simm.s32 $0x0;
	v7 =	vld [tilespmem:s12+$0xFFFFFFE0]  }
.LBB2_2:
0x12: {  	p0 =	sne.s32 s13, $0x1FC0  }
0x13: {  	(xrf1) =	vsort.ascd.msk.f32 $0xffff, v4, v3  }
0x14: {  	(xrf1) =	vsort.dscd.msk.f32 $0xffff, v5, v2  }
0x15: {  	(xrf1) =	vsort.ascd.msk.f32 $0xffff, v6, v1  }
0x16: {  	(xrf1) =	vsort.dscd.msk.f32 $0xffff, v7, v0;
	_ =	sdelay $0xa  }
0x17: {  	v4, v5, _ =	vpop (xrf1)  }
0x18: {  	v6, v7, _ =	vpop (xrf1)  }
0x19: {  	v8, v9, _ =	vpop (xrf1)  }
0x1a: {  	v4 =	vsel vm0, v6, v4;
	v5 =	vsel vm0, v7, v5;
	v6, v7, _ =	vpop (xrf1)  }
0x1b: {  	v6 =	vsel vm0, v6, v8;
	v7 =	vsel vm0, v7, v9;
	(xrf1) =	vsort.ascd.msk.f32 $0xffff, v4, v5  }
0x1c: {  	(xrf1) =	vsort.dscd.msk.f32 $0xffff, v6, v7;
	_ =	sdelay $0xc  }
0x1d: {  	v4, v5, _ =	vpop (xrf1)  }
0x1e: {  	v6, v7, _ =	vpop (xrf1)  }
0x1f: {  	v4 =	vsel vm0, v6, v4;
	v5 =	vsel vm0, v7, v5  }
0x20: {  	(xrf1) =	vsort.dscd.msk.f32 $0xffff, v4, v5;
	_ =	sdelay $0xd  }
0x21: {  	s14 =	sshra.s32 s11, $0x2;
	s11 =	smov.u32 s13;
	v4, v5, _ =	vpop (xrf1)  }
0x22: {  	[tilespmem:s14+$0x4000] =	vst v5;
	(xrf0) =	vmax.scan.msk.f32 $0xffff, v4;
	_ =	sdelay $0x5  }
0x23: {  	v5, _, _ =	vpop (xrf0)  }
0x24: {  	v5 =	vbroadcast v5, $0xF;
	_ =	sdelay $0x1  }
0x25: {  	v4 =	vsub.f32 v4, v5;
	_ =	sdelay $0x1  }
0x26: {  	v4 =	vmul.f32 $1.442695020e+00, v4;
	_ =	sdelay $0x1  }
0x27: {  	(erf) = vpow2.f32 v4;
	_ =	sdelay $0x8  }
0x28: {  	v4 =	vpop (erf)  }
0x29: {  	v4 =	vnsel vm0, $0x0, v4  }
0x2a: {  	(xrf2) =	vadd.scan.msk.f32 $0xffff, v4;
	_ =	sdelay $0x9  }
0x2b: {  	v5, _, _ =	vpop (xrf2)  }
0x2c: {  	v5 =	vadd.f32 $0.0e+00, v5;
	_ =	sdelay $0x1  }
0x2d: {  	v5 =	vbroadcast v5, $0xF;
	_ =	sdelay $0x1  }
0x2e: {  	(erf) = vrcp.f32 v5;
	_ =	sdelay $0x8  }
0x2f: {  	v5 =	vpop (erf)  }
0x30: {  	v4 =	vmul.f32 v5, v4;
	_ =	sdelay $0x1  }
.Ltmp0:
0x31: {  	s12 =	sadd.s32 $0x80, s12;
	[tilespmem:s14+$0x4800] =	vst v4;
	(pc) =	sbr.rel @p0 .LBB2_2-.Ltmp0, $4  }
0x32: {  	v4 =	vld [tilespmem:s12+$0x10]  }
0x33: {  	v5 =	vld [tilespmem:s12+$0x0]  }
0x34: {  	v6 =	vld [tilespmem:s12+$0xFFFFFFF0]  }
0x35: {  	s13 =	sadd.s32 $0x40, s13;
	v7 =	vld [tilespmem:s12+$0xFFFFFFE0]  }
0x36: {  	_ = 	snop  }
0x37: {  	(xrf1) =	vsort.ascd.msk.f32 $0xffff, v4, v3  }
0x38: {  	(xrf1) =	vsort.dscd.msk.f32 $0xffff, v5, v2  }
0x39: {  	(xrf1) =	vsort.ascd.msk.f32 $0xffff, v6, v1  }
0x3a: {  	(xrf1) =	vsort.dscd.msk.f32 $0xffff, v7, v0;
	_ =	sdelay $0xa  }
0x3b: {  	v4, v5, _ =	vpop (xrf1)  }
0x3c: {  	v58, v59, _ =	vpop (xrf1)  }
0x3d: {  	v8, v9, _ =	vpop (xrf1)  }
0x3e: {  	v4 =	vsel vm0, v58, v4;
	v5 =	vsel vm0, v59, v5;
	v60, v61, _ =	vpop (xrf1)  }
0x3f: {  	(xrf1) =	vsort.ascd.msk.f32 $0xffff, v4, v5;
	v6 =	vsel vm0, v60, v8;
	v7 =	vsel vm0, v61, v9  }
0x40: {  	(xrf1) =	vsort.dscd.msk.f32 $0xffff, v6, v7;
	_ =	sdelay $0xc  }
0x41: {  	v4, v5, _ =	vpop (xrf1)  }
0x42: {  	v6, v7, _ =	vpop (xrf1)  }
0x43: {  	v4 =	vsel vm0, v6, v4;
	v5 =	vsel vm0, v7, v5  }
0x44: {  	(xrf1) =	vsort.dscd.msk.f32 $0xffff, v4, v5;
	_ =	sdelay $0xd  }
0x45: {  	v4, v5, _ =	vpop (xrf1)  }
0x46: {  	(xrf0) =	vmax.scan.msk.f32 $0xffff, v4;
	_ =	sdelay $0x5  }
0x47: {  	v62, _, _ =	vpop (xrf0)  }
0x48: {  	v6 =	vbroadcast v62, $0xF;
	_ =	sdelay $0x1  }
0x49: {  	v4 =	vsub.f32 v4, v6;
	_ =	sdelay $0x1  }
0x4a: {  	v4 =	vmul.f32 $1.442695020e+00, v4;
	_ =	sdelay $0x1  }
0x4b: {  	(erf) = vpow2.f32 v4;
	_ =	sdelay $0x8  }
0x4c: {  	v4 =	vpop (erf)  }
0x4d: {  	v4 =	vnsel vm0, $0x0, v4  }
0x4e: {  	(xrf2) =	vadd.scan.msk.f32 $0xffff, v4;
	_ =	sdelay $0x9  }
0x4f: {  	v63, _, _ =	vpop (xrf2)  }
0x50: {  	v6 =	vadd.f32 $0.0e+00, v63;
	_ =	sdelay $0x1  }
0x51: {  	v6 =	vbroadcast v6, $0xF;
	_ =	sdelay $0x1  }
0x52: {  	(erf) = vrcp.f32 v6;
	_ =	sdelay $0x8  }
0x53: {  	v6 =	vpop (erf)  }
0x54: {  	s11 =	sshra.s32 s11, $0x2;
	v4 =	vmul.f32 v6, v4  }
0x55: {  	[tilespmem:s11+$0x4000] =	vst v5  }
0x56: {  	[tilespmem:s11+$0x4800] =	vst v4  }
0x57: {  	[hbm4b:s4+s2] =	stream.linear.scatter [tilespmem:s8], [sflag:$0x1], $0x800, $0x38;
	[tilespmem:$0x5000] =	vst v63  }
0x58: {  	s10 =	sadd.s32 $0x1, s10;
	_ =	swait.ge [sflag:s7], $0x800  }
0x59: {  	p0 =	sne.s32 s10, s6;
	[sflag:s7] =	ssyncset.done $0x0  }
.Ltmp1:
0x5a: {  	[sflag:s7] =	ssyncadd.s32 $0xFFFFF800;
	(pc) =	sbr.rel @p0 .LBB2_1-.Ltmp1, $4  }
0x5b: {  	[hbm4b:s5+s2] =	stream.linear.scatter [tilespmem:s9], [sflag:$0x1], $0x800, $0x38;
	[tilespmem:$0x5000] =	vst v63  }
0x5c: {  	_ =	swait.ge [sflag:s7], $0x800  }
0x5d: {  	[sflag:s7] =	ssyncset.done $0x0  }
0x5e: {  	[sflag:s7] =	ssyncadd.s32 $0xFFFFF800  }
0x5f: {  	_ =	sfence.sel $0x180000  }
0x60: {  	[bflag:$0x0] =	sbarrier.arrive $0xFFFF  }
0x61: {  	p0 =	sne.s32 s1, $0x0;
	_ =	strace $0x9000004D  }
0x62: {  	s0 =	sadd.s32 @!p0 $0x100000, s0;
	[bflag:$0x2] =	sbarrier.arrive $0xFFFF  }
0x63: {  	[sflag:s0] =	ssyncadd.tile.s32 @!p0 $0x1;
	_ =	shalt  }
.Lfunc_end2:
_tile_overlayer_lowered:
.L_overlay_start_2:
0x64: {  	(tag) =	ssettag $0x2  }
0x65: {  	s0 =	rddreg [dreg:$0x0];
	s2 =	stileid.u32  }
0x66: {  	s1 =	rddreg [dreg:$0x1];
	p0 =	sne.s32 s2, $0x0  }
0x67: {  	s3 =	rddreg [dreg:$0x2];
	[bflag:$0x3] =	sbarrier.arrive $0xFFFF;
	s2 =	simm.s32 @!p0 $0x1C01  }
0x68: {  	[timem:s3], [sflag:s2] =	dma.local @!p0 [hbm:s0], s1  }
0x69: {  	s0 =	simm.s32 @!p0 $0x1  }
0x6a: {  	_ =	swait.ge @!p0 [sflag:s0], s1  }
0x6b: {  	s1 =	ssub.s32 @!p0 $0x0, s1;
	[sflag:s0] =	ssyncset.done @!p0 $0x0  }
0x6c: {  	[sflag:s0] =	ssyncadd.s32 @!p0 s1  }
0x6d: {  	[bflag:$0x3] =	sbarrier.arrive $0xFFFF  }
0x6e: {  	_ =	shalt  }

// kernel: kernel.19.cloned.1.call-start
scs
__scs_entry_jumppad:
0x0: {  	(pc) =	sbr.rel $0x88, $3  }
0x1: {  	(tag) =	ssettag $0x0;
	lr =	simm.s32 $0x1  }
0x2: {  	[smem:$0x3F9F] =	sst lr;
	_ =	strace $0xD0000000  }
0x3: {  	_ = 	snop  }
0x4: {  	_ = 	snop  }
0x5: {  	_ = 	snop  }
0x6: {  	_ = 	snop  }
0x7: {  	_ = 	snop  }
__scs_overlays_trampoline_lowered:
0x8: {  	[smem:$0x3FAE] =	sst s0  }
0x9: {  	[smem:$0x3FAF] =	sst s1  }
0xa: {  	[smem:$0x3FB0] =	sst s2  }
0xb: {  	[smem:$0x3FB1] =	sst s3  }
0xc: {  	[smem:$0x3FB2] =	sst s4  }
0xd: {  	[smem:$0x3FB3] =	sst s5  }
0xe: {  	[smem:$0x3FB4] =	sst s6  }
0xf: {  	[smem:$0x3FB5] =	sst s7  }
0x10: {  	[smem:$0x3FB6] =	sst s8  }
0x11: {  	[smem:$0x3FB7] =	sst s9;
	s0 =	simm.s32 @!p0 $0x0  }
0x12: {  	s1 =	sld [smem:$0x3F9D];
	s0 =	simm.s32 @p0 $0x1  }
0x13: {  	[smem:$0x3FB8] =	sst s0;
	s0 =	simm.s32 @!p1 $0x0  }
0x14: {  	s2 =	sld [smem:$0x3F9C];
	s0 =	simm.s32 @p1 $0x1  }
0x15: {  	[smem:$0x3FB9] =	sst s0;
	s0 =	simm.s32 @!p2 $0x0  }
0x16: {  	s3 =	sld [smem:$0x3FDB];
	s0 =	simm.s32 @p2 $0x1  }
0x17: {  	s4 =	simm.s32 $0x1BF5;
	[smem:$0x3FBB] =	sst s0  }
0x18: {  	s0 =	sld [smem:$0x3F9E];
	_ =	swait.ge [sflag:s4], $0x0  }
0x19: {  	s7 =	sld [smem:$0x3F9F]  }
0x1a: {  	s8 =	sadd.s32 $0xFFFFE003, lr  }
0x1b: {  	s9 =	sadd.s32 $0xFFFFFEF7, lr;
	s5 =	simm.s32 $0xFFFFFFFF;
	p2 =	slt.u32 s8, $0xFFFFF086  }
0x1c: {  	p1 =	slt.u32 s9, $0xF7A;
	s5 =	simm.s32 @!p2 $0x0  }
0x1d: {  	s5 =	simm.s32 @p1 $0x1;
	p0 =	seq.s32 s7, s2  }
0x1e: {  	s7 =	smul.u32 @!p0 $0xF7A, s2;
	p2 =	seq.s32 @!p0 s5, $0x0  }
0x1f: {  	s9 =	smul.u32 $0xF7A, s1;
	s8 =	simm.s32 @!p0 $0x1BF5;
	p2 =	por !p2, p0  }
0x20: {  	[sflag:s8] =	ssyncset.s32 @!p0 $0xFFFFF086;
	s6 =	sadd.s32 @!p0 s3, s7;
	s7 =	simm.s32 @!p0 $0x108  }
0x21: {  	s3 =	sadd.s32 s3, s9;
	s6 =	sadd.s32 @!p0 $0x88, s6;
	s7 =	simm.s32 @p2 $0x1082  }
0x22: {  	[simem:s7], [sflag:s8] =	dma.local @!p0 [hbm:s6], $0xF7A  }
0x23: {  	s9 =	sor.u32 $0xD0000000, s2;
	s6 =	simm.s32 $0x108;
	_ =	swait.ge @!p0 [sflag:s8], $0x0  }
0x24: {  	s3 =	sadd.s32 $0x88, s3;
	s6 =	simm.s32 @!p1 $0x1082;
	[sflag:s4] =	ssyncset.s32 $0xFFFFF086  }
0x25: {  	[simem:s6], [sflag:s4] =	dma.local [hbm:s3], $0xF7A  }
0x26: {  	[smem:$0x3F9F] =	sst s1;
	(tag) =	ssettag s2;
	_ =	strace s9  }
0x27: {  	s1 =	sld [smem:$0x3FAF]  }
0x28: {  	s2 =	sld [smem:$0x3FB0]  }
0x29: {  	s4 =	sld [smem:$0x3FB2]  }
0x2a: {  	p0 =	seq.s32 s5, $0x0;
	s5 =	sld [smem:$0x3FB3]  }
0x2b: {  	s6 =	sld [smem:$0x3FB4]  }
0x2c: {  	s7 =	sld [smem:$0x3FB5]  }
0x2d: {  	s3 =	simm.s32 $0x108;
	s8 =	sld [smem:$0x3FB6]  }
0x2e: {  	s3 =	simm.s32 @!p0 $0x1082;
	s9 =	sld [smem:$0x3FB7]  }
0x2f: {  	lr =	sadd.s32 s0, s3;
	s0 =	sld [smem:$0x3FAE]  }
0x30: {  	s3 =	sld [smem:$0x3FB1]  }
0x31: {  	[smem:$0x3FBA] =	sst s10  }
0x32: {  	s10 =	sld [smem:$0x3FB8];
	_ =	sdelay $0x3  }
0x33: {  	p0 =	seq.s32 s10, $0x1;
	s10 =	sld [smem:$0x3FBA];
	_ =	sdelay $0x3  }
0x34: {  	[smem:$0x3FBA] =	sst s10  }
0x35: {  	s10 =	sld [smem:$0x3FB9];
	_ =	sdelay $0x3  }
0x36: {  	p1 =	seq.s32 s10, $0x1;
	s10 =	sld [smem:$0x3FBA];
	_ =	sdelay $0x3  }
0x37: {  	[smem:$0x3FBA] =	sst s10  }
0x38: {  	s10 =	sld [smem:$0x3FBB]  }
0x39: {  	_ = 	snop;
	(pc) =	sbr.ind lr, $3  }
0x3a: {  	_ = 	snop  }
0x3b: {  	_ = 	snop  }
0x3c: {  	p2 =	seq.s32 s10, $0x1;
	s10 =	sld [smem:$0x3FBA]  }
0x3d: {  	_ =	shalt  }
0x3e: {  	_ =	shalt  }
0x3f: {  	_ =	shalt  }
0x40: {  	_ =	shalt  }
0x41: {  	_ =	shalt  }
0x42: {  	_ =	shalt  }
0x43: {  	_ =	shalt  }
0x44: {  	_ =	shalt  }
0x45: {  	_ =	shalt  }
0x46: {  	_ =	shalt  }
0x47: {  	_ =	shalt  }
0x48: {  	_ =	shalt  }
0x49: {  	_ =	shalt  }
0x4a: {  	_ =	shalt  }
0x4b: {  	_ =	shalt  }
0x4c: {  	_ =	shalt  }
0x4d: {  	_ =	shalt  }
0x4e: {  	_ =	shalt  }
0x4f: {  	_ =	shalt  }
0x50: {  	_ =	shalt  }
0x51: {  	_ =	shalt  }
0x52: {  	_ =	shalt  }
0x53: {  	_ =	shalt  }
0x54: {  	_ =	shalt  }
0x55: {  	_ =	shalt  }
0x56: {  	_ =	shalt  }
0x57: {  	_ =	shalt  }
0x58: {  	_ =	shalt  }
0x59: {  	_ =	shalt  }
0x5a: {  	_ =	shalt  }
0x5b: {  	_ =	shalt  }
0x5c: {  	_ =	shalt  }
0x5d: {  	_ =	shalt  }
0x5e: {  	_ =	shalt  }
0x5f: {  	_ =	shalt  }
0x60: {  	_ =	shalt  }
0x61: {  	_ =	shalt  }
0x62: {  	_ =	shalt  }
0x63: {  	_ =	shalt  }
0x64: {  	_ =	shalt  }
0x65: {  	_ =	shalt  }
0x66: {  	_ =	shalt  }
0x67: {  	_ =	shalt  }
0x68: {  	_ =	shalt  }
0x69: {  	_ =	shalt  }
0x6a: {  	_ =	shalt  }
0x6b: {  	_ =	shalt  }
0x6c: {  	_ =	shalt  }
0x6d: {  	_ =	shalt  }
0x6e: {  	_ =	shalt  }
0x6f: {  	_ =	shalt  }
0x70: {  	_ =	shalt  }
0x71: {  	_ =	shalt  }
0x72: {  	_ =	shalt  }
0x73: {  	_ =	shalt  }
0x74: {  	_ =	shalt  }
0x75: {  	_ =	shalt  }
0x76: {  	_ =	shalt  }
0x77: {  	_ =	shalt  }
0x78: {  	_ =	shalt  }
0x79: {  	_ =	shalt  }
0x7a: {  	_ =	shalt  }
0x7b: {  	_ =	shalt  }
0x7c: {  	_ =	shalt  }
0x7d: {  	_ =	shalt  }
0x7e: {  	_ =	shalt  }
0x7f: {  	_ =	shalt  }
0x80: {  	_ =	shalt  }
0x81: {  	_ =	shalt  }
0x82: {  	_ =	shalt  }
0x83: {  	_ =	shalt  }
0x84: {  	_ =	shalt  }
0x85: {  	_ =	shalt  }
0x86: {  	_ =	shalt  }
0x87: {  	_ =	shalt  }
.Lfunc_end0:
.L_simem_size_0:
called_computation.3_lowered:
.L_overlay_start_0:
0x88: {  	s2 =	sld [smem:$0x3FD9]  }
0x89: {  	s3 =	sld [smem:$0x3FFE];
	_ =	sdelay $0x1  }
0x8a: {  	s1 =	srdreg.scid  }
0x8b: {  	s0 =	sand.u32 $0x1, s1  }
0x8c: {  	s17 =	sshll.u32 s0, $0xA;
	s2 =	sadd.s32 s3, s2  }
0x8d: {  	s2 =	sadd.s32 s2, s17  }
0x8e: {  	[smem:$0x3FC6] =	sst s2  }
0x8f: {  	_ = 	snop  }
0x90: {  	(tm) =	ssettm $0x1  }
0x91: {  	s18 =	sld [smem:$0x3FFB];
	_ =	sdelay $0x3  }
0x92: {  	_ =	strace s18  }
0x93: {  	s2 =	sld [smem:$0x3FFC];
	_ =	sdelay $0x3  }
0x94: {  	_ =	strace s2  }
0x95: {  	s2 =	sld [smem:$0x3FFD];
	_ =	sdelay $0x3  }
0x96: {  	_ =	strace s2  }
0x97: {  	_ =	strace $0x8FFFFFFF  }
0x98: {  	s19 =	sld [smem:$0x3FDB];
	_ =	sdelay $0x1  }
0x99: {  	s20 =	simm.s32 $_scs_section_size  }
0x9a: {  	s4 =	simm.s32 $_size__tile_overlayer_lowered;
	s5 =	simm.s32 $_tile_overlayer_lowered  }
0x9b: {  	s6 =	simm.s32 $0x1BFF;
	s21 =	sshll.u32 s5, $0x1;
	s3 =	sadd.s32 s20, s19  }
0x9c: {  	s22 =	simm.s32 $0x0;
	s4 =	sshll.u32 s4, $0x1;
	s5 =	sadd.s32 s21, s3  }
0x9d: {  	[timem:s22], [sflag:s6] =	dma.local [hbm:s5], s4  }
0x9e: {  	_ =	swait.ge [sflag:s6], s4  }
0x9f: {  	s4 =	ssub.s32 $0x0, s4;
	[sflag:s6] =	ssyncset.done $0x0  }
0xa0: {  	[sflag:s6] =	ssyncadd.s32 s4;
	_ =	sdelay $0x1  }
0xa1: {  	s23 =	simm.s32 $0x1B8B  }
0xa2: {  	_ =	swait.ge [sflag:s23], $0x1  }
0xa3: {  	[sflag:s23] =	ssyncset.done $0x0  }
0xa4: {  	[sflag:s23] =	ssyncadd.s32 $0xFFFFFFFF  }
0xa5: {  	s4 =	sld [smem:$0x0]  }
0xa6: {  	s5 =	sand.u32 $0xFFFFFFFE, s1  }
0xa7: {  	p0 =	sne.s32 s1, s5  }
0xa8: {  	s5 =	sshll.u32 @p0 s5, $0xE  }
0xa9: {  	s5 =	sadd.s32 @p0 $0x11B8D, s5;
	s6 =	sshll.u32 @p0 s4, $0x11  }
0xaa: {  	s5 =	sor.u32 @p0 s6, s5  }
0xab: {  	[sflag:s5] =	ssyncadd.remote.s32 @p0 $0x1;
	_ =	sdelay $0x1  }
0xac: {  	s5 =	simm.s32 @p0 $0x1B8D  }
0xad: {  	_ =	swait.eq @p0 [sflag:s5], $0x1  }
0xae: {  	[sflag:s5] =	ssyncadd.s32 @p0 $0xFFFFFFFF  }
0xaf: {  	s6 =	sshll.u32 @!p0 s1, $0xE  }
0xb0: {  	s6 =	sor.u32 @!p0 $0x4000, s6;
	s5 =	simm.s32 @!p0 $0x1B8D  }
0xb1: {  	s4 =	sshll.u32 @!p0 s4, $0x11;
	s6 =	sadd.s32 @!p0 $0x11B8D, s6;
	_ =	swait.eq @!p0 [sflag:s5], $0x1  }
0xb2: {  	s4 =	sor.u32 @!p0 s4, s6;
	[sflag:s5] =	ssyncadd.s32 @!p0 $0xFFFFFFFF  }
0xb3: {  	s25 =	simm.s32 $0x1B8E;
	s24 =	sld [smem:$0x3FFE];
	[sflag:s4] =	ssyncadd.remote.s32 @!p0 $0x1  }
0xb4: {  	s26 =	simm.s32 $execute0_lowered;
	[smem:$0x3FD2] =	sst s25  }
0xb5: {  	s5 =	sshll.u32 s26, $0x1;
	_ =	strace $0x80000049;
	[dreg:$0x1] =	wrdreg $0xFFFFFFFF  }
0xb6: {  	s28 =	simm.s32 $_size_execute0_lowered;
	s3 =	sadd.s32 s3, s5;
	[dreg:$0x0] =	wrdreg $0x0  }
0xb7: {  	s5 =	sshll.u32 s28, $0x1;
	[dreg:$0x2] =	wrdreg s3  }
0xb8: {  	[dreg:$0x3] =	wrdreg s5  }
0xb9: {  	[dreg:$0x4] =	wrdreg $0xC0  }
0xba: {  	_ =	task [dreg:s22], $0x5FFFF  }
0xbb: {  	[dreg:$0x1] =	wrdreg $0xFFFFFFFF  }
0xbc: {  	[dreg:$0x0] =	wrdreg $0x60  }
0xbd: {  	[dreg:$0x2] =	wrdreg s24  }
0xbe: {  	[dreg:$0x3] =	wrdreg $0xC  }
0xbf: {  	_ =	task.clear_ibuf [dreg:s22], $0x4FFFF;
	_ =	strace $0x90000049  }
0xc0: {  	s29 =	simm.s32 $0xC;
	_ =	strace $0x8000004B  }
0xc1: {  	_ =	swait.ge [sflag:s29], $0x1  }
0xc2: {  	[sflag:s29] =	ssyncadd.s32 $0xFFFFFFFF  }
0xc3: {  	_ =	strace $0x9000004B  }
0xc4: {  	_ =	sfence  }
0xc5: {  	s30 =	sld [smem:$0x0];
	_ =	sdelay $0x2  }
0xc6: {  	s31 =	sshll.u32 s1, $0xD;
	s1 =	sshrl.u32 s1, $0x2  }
0xc7: {  	s4 =	sand.u32 $0x4000, s31;
	s1 =	sadd.s32 s1, s30  }
0xc8: {  	s0 =	sor.u32 s4, s0;
	s1 =	sshll.u32 s1, $0x11  }
0xc9: {  	s0 =	sor.u32 s1, s0  }
0xca: {  	s0 =	sadd.s32 $0x8F2B, s0  }
0xcb: {  	[sflag:s0] =	ssyncadd.remote.s32 $0x1  }
0xcc: {  	_ =	sfence.sel $0xFFFF  }
0xcd: {  	[dreg:$0x0] =	wrdreg $0xFFFFFFFF;
	(pc) =	sbr.abs _section_cstart, $3  }
0xce: {  	[dreg:$0x1] =	wrdreg $0xFFFFFFFF  }
0xcf: {  	_ =	task.clear_ibuf [dreg:s22], $0x2FFFF;
	_ =	strace $0x9FFFFFFF  }
0xd0: {  	(tm) =	ssettm $0x7FFFFFFF  }
0xd1: {  	_ =	shalt  }
tec
execute0_lowered:
.L_overlay_start_1:
0x0: {  	(tag) =	ssettag $0x1  }
0x1: {  	s3 =	rddreg [dreg:$0x0]  }
0x2: {  	s0 =	rddreg [dreg:$0x1];
	s2 =	simm.s32 $0x0;
	s4 =	srdreg.scid  }
0x3: {  	s1 =	stileid.u32;
	s8 =	simm.s32 $0x4000;
	s9 =	simm.s32 $0x4800  }
0x4: {  	[smem:$0x7FF] =	sst s2;
	s4 =	sand.u32 $0x1, s4;
	s5 =	sshll.u32 s1, $0x1  }
0x5: {  	s10 =	simm.s32 $0x0;
	_ =	strace $0x8000004A;
	s5 =	sor.u32 s4, s5  }
0x6: {  	s4 =	ssub.s32 $0x2, s4;
	s6 =	sshll.u32 s5, $0xB;
	s5 =	sshll.u32 s5, $0x8  }
0x7: {  	s31 =	sshrl.u32 s4, $0x1;
	s6 =	sadd.s32 s6, s3;
	s5 =	sadd.s32 s5, s3  }
0x8: {  	v0 =	vlaneseq.u32;
	vm0 =	vmmov $0xff;
	s7 =	ssub.s32 s4, s31;
	s3 =	sadd.s32 $0x17400, s6;
	s4 =	sadd.s32 $0x27400, s5  }
0x9: {  	v1 =	vor.u32 $0x10, v0;
	v2 =	vor.u32 $0x20, v0;
	v3 =	vor.u32 $0x30, v0;
	s5 =	sadd.s32 $0x29400, s5;
	s6 =	smax.u32 s7, $0x1;
	s7 =	simm.s32 $0x1  }
.LBB2_1:
0xa: {  	[tilespmem:s2], [sflag:$0x1] =	stream.linear.gather [hbm4b:s3+s2], $0x4000, $0x38;
	[tilespmem:$0x5000] =	vst v63  }
0xb: {  	_ =	swait.ge [sflag:s7], $0x4000  }
0xc: {  	[sflag:s7] =	ssyncset.done $0x0  }
0xd: {  	s12 =	simm.s32 $0x20;
	[sflag:s7] =	ssyncadd.s32 $0xFFFFC000  }
0xe: {  	v4 =	vld [tilespmem:s12+$0x10]  }
0xf: {  	v5 =	vld [tilespmem:s12+$0x0]  }
0x10: {  	v6 =	vld [tilespmem:s12+$0xFFFFFFF0]  }
0x11: {  	s13 =	simm.s32 $0x40;
	s11 =	simm.s32 $0x0;
	v7 =	vld [tilespmem:s12+$0xFFFFFFE0]  }
.LBB2_2:
0x12: {  	p0 =	sne.s32 s13, $0x1FC0  }
0x13: {  	(xrf1) =	vsort.ascd.msk.f32 $0xffff, v4, v3  }
0x14: {  	(xrf1) =	vsort.dscd.msk.f32 $0xffff, v5, v2  }
0x15: {  	(xrf1) =	vsort.ascd.msk.f32 $0xffff, v6, v1  }
0x16: {  	(xrf1) =	vsort.dscd.msk.f32 $0xffff, v7, v0;
	_ =	sdelay $0xa  }
0x17: {  	v4, v5, _ =	vpop (xrf1)  }
0x18: {  	v6, v7, _ =	vpop (xrf1)  }
0x19: {  	v8, v9, _ =	vpop (xrf1)  }
0x1a: {  	v4 =	vsel vm0, v6, v4;
	v5 =	vsel vm0, v7, v5;
	v6, v7, _ =	vpop (xrf1)  }
0x1b: {  	v6 =	vsel vm0, v6, v8;
	v7 =	vsel vm0, v7, v9;
	(xrf1) =	vsort.ascd.msk.f32 $0xffff, v4, v5  }
0x1c: {  	(xrf1) =	vsort.dscd.msk.f32 $0xffff, v6, v7;
	_ =	sdelay $0xc  }
0x1d: {  	v4, v5, _ =	vpop (xrf1)  }
0x1e: {  	v6, v7, _ =	vpop (xrf1)  }
0x1f: {  	v4 =	vsel vm0, v6, v4;
	v5 =	vsel vm0, v7, v5  }
0x20: {  	(xrf1) =	vsort.dscd.msk.f32 $0xffff, v4, v5;
	_ =	sdelay $0xd  }
0x21: {  	s14 =	sshra.s32 s11, $0x2;
	s11 =	smov.u32 s13;
	v4, v5, _ =	vpop (xrf1)  }
0x22: {  	[tilespmem:s14+$0x4000] =	vst v5;
	(xrf0) =	vmax.scan.msk.f32 $0xffff, v4;
	_ =	sdelay $0x5  }
0x23: {  	v5, _, _ =	vpop (xrf0)  }
0x24: {  	v5 =	vbroadcast v5, $0xF;
	_ =	sdelay $0x1  }
0x25: {  	v4 =	vsub.f32 v4, v5;
	_ =	sdelay $0x1  }
0x26: {  	v4 =	vmul.f32 $1.442695020e+00, v4;
	_ =	sdelay $0x1  }
0x27: {  	(erf) = vpow2.f32 v4;
	_ =	sdelay $0x8  }
0x28: {  	v4 =	vpop (erf)  }
0x29: {  	v4 =	vnsel vm0, $0x0, v4  }
0x2a: {  	(xrf2) =	vadd.scan.msk.f32 $0xffff, v4;
	_ =	sdelay $0x9  }
0x2b: {  	v5, _, _ =	vpop (xrf2)  }
0x2c: {  	v5 =	vadd.f32 $0.0e+00, v5;
	_ =	sdelay $0x1  }
0x2d: {  	v5 =	vbroadcast v5, $0xF;
	_ =	sdelay $0x1  }
0x2e: {  	(erf) = vrcp.f32 v5;
	_ =	sdelay $0x8  }
0x2f: {  	v5 =	vpop (erf)  }
0x30: {  	v4 =	vmul.f32 v5, v4;
	_ =	sdelay $0x1  }
.Ltmp0:
0x31: {  	s12 =	sadd.s32 $0x80, s12;
	[tilespmem:s14+$0x4800] =	vst v4;
	(pc) =	sbr.rel @p0 .LBB2_2-.Ltmp0, $4  }
0x32: {  	v4 =	vld [tilespmem:s12+$0x10]  }
0x33: {  	v5 =	vld [tilespmem:s12+$0x0]  }
0x34: {  	v6 =	vld [tilespmem:s12+$0xFFFFFFF0]  }
0x35: {  	s13 =	sadd.s32 $0x40, s13;
	v7 =	vld [tilespmem:s12+$0xFFFFFFE0]  }
0x36: {  	_ = 	snop  }
0x37: {  	(xrf1) =	vsort.ascd.msk.f32 $0xffff, v4, v3  }
0x38: {  	(xrf1) =	vsort.dscd.msk.f32 $0xffff, v5, v2  }
0x39: {  	(xrf1) =	vsort.ascd.msk.f32 $0xffff, v6, v1  }
0x3a: {  	(xrf1) =	vsort.dscd.msk.f32 $0xffff, v7, v0;
	_ =	sdelay $0xa  }
0x3b: {  	v4, v5, _ =	vpop (xrf1)  }
0x3c: {  	v58, v59, _ =	vpop (xrf1)  }
0x3d: {  	v8, v9, _ =	vpop (xrf1)  }
0x3e: {  	v4 =	vsel vm0, v58, v4;
	v5 =	vsel vm0, v59, v5;
	v60, v61, _ =	vpop (xrf1)  }
0x3f: {  	(xrf1) =	vsort.ascd.msk.f32 $0xffff, v4, v5;
	v6 =	vsel vm0, v60, v8;
	v7 =	vsel vm0, v61, v9  }
0x40: {  	(xrf1) =	vsort.dscd.msk.f32 $0xffff, v6, v7;
	_ =	sdelay $0xc  }
0x41: {  	v4, v5, _ =	vpop (xrf1)  }
0x42: {  	v6, v7, _ =	vpop (xrf1)  }
0x43: {  	v4 =	vsel vm0, v6, v4;
	v5 =	vsel vm0, v7, v5  }
0x44: {  	(xrf1) =	vsort.dscd.msk.f32 $0xffff, v4, v5;
	_ =	sdelay $0xd  }
0x45: {  	v4, v5, _ =	vpop (xrf1)  }
0x46: {  	(xrf0) =	vmax.scan.msk.f32 $0xffff, v4;
	_ =	sdelay $0x5  }
0x47: {  	v62, _, _ =	vpop (xrf0)  }
0x48: {  	v6 =	vbroadcast v62, $0xF;
	_ =	sdelay $0x1  }
0x49: {  	v4 =	vsub.f32 v4, v6;
	_ =	sdelay $0x1  }
0x4a: {  	v4 =	vmul.f32 $1.442695020e+00, v4;
	_ =	sdelay $0x1  }
0x4b: {  	(erf) = vpow2.f32 v4;
	_ =	sdelay $0x8  }
0x4c: {  	v4 =	vpop (erf)  }
0x4d: {  	v4 =	vnsel vm0, $0x0, v4  }
0x4e: {  	(xrf2) =	vadd.scan.msk.f32 $0xffff, v4;
	_ =	sdelay $0x9  }
0x4f: {  	v63, _, _ =	vpop (xrf2)  }
0x50: {  	v6 =	vadd.f32 $0.0e+00, v63;
	_ =	sdelay $0x1  }
0x51: {  	v6 =	vbroadcast v6, $0xF;
	_ =	sdelay $0x1  }
0x52: {  	(erf) = vrcp.f32 v6;
	_ =	sdelay $0x8  }
0x53: {  	v6 =	vpop (erf)  }
0x54: {  	s11 =	sshra.s32 s11, $0x2;
	v4 =	vmul.f32 v6, v4  }
0x55: {  	[tilespmem:s11+$0x4000] =	vst v5  }
0x56: {  	[tilespmem:s11+$0x4800] =	vst v4  }
0x57: {  	[hbm4b:s4+s2] =	stream.linear.scatter [tilespmem:s8], [sflag:$0x1], $0x800, $0x38;
	[tilespmem:$0x5000] =	vst v63  }
0x58: {  	s10 =	sadd.s32 $0x1, s10;
	_ =	swait.ge [sflag:s7], $0x800  }
0x59: {  	p0 =	sne.s32 s10, s6;
	[sflag:s7] =	ssyncset.done $0x0  }
.Ltmp1:
0x5a: {  	[sflag:s7] =	ssyncadd.s32 $0xFFFFF800;
	(pc) =	sbr.rel @p0 .LBB2_1-.Ltmp1, $4  }
0x5b: {  	[hbm4b:s5+s2] =	stream.linear.scatter [tilespmem:s9], [sflag:$0x1], $0x800, $0x38;
	[tilespmem:$0x5000] =	vst v63  }
0x5c: {  	_ =	swait.ge [sflag:s7], $0x800  }
0x5d: {  	[sflag:s7] =	ssyncset.done $0x0  }
0x5e: {  	[sflag:s7] =	ssyncadd.s32 $0xFFFFF800  }
0x5f: {  	_ =	sfence.sel $0x180000  }
0x60: {  	[bflag:$0x0] =	sbarrier.arrive $0xFFFF  }
0x61: {  	p0 =	sne.s32 s1, $0x0;
	_ =	strace $0x9000004A  }
0x62: {  	s0 =	sadd.s32 @!p0 $0x100000, s0;
	[bflag:$0x2] =	sbarrier.arrive $0xFFFF  }
0x63: {  	[sflag:s0] =	ssyncadd.tile.s32 @!p0 $0x1;
	_ =	shalt  }
.Lfunc_end2:
_tile_overlayer_lowered:
.L_overlay_start_2:
0x64: {  	(tag) =	ssettag $0x2  }
0x65: {  	s0 =	rddreg [dreg:$0x0];
	s2 =	stileid.u32  }
0x66: {  	s1 =	rddreg [dreg:$0x1];
	p0 =	sne.s32 s2, $0x0  }
0x67: {  	s3 =	rddreg [dreg:$0x2];
	[bflag:$0x3] =	sbarrier.arrive $0xFFFF;
	s2 =	simm.s32 @!p0 $0x1C01  }
0x68: {  	[timem:s3], [sflag:s2] =	dma.local @!p0 [hbm:s0], s1  }
0x69: {  	s0 =	simm.s32 @!p0 $0x1  }
0x6a: {  	_ =	swait.ge @!p0 [sflag:s0], s1  }
0x6b: {  	s1 =	ssub.s32 @!p0 $0x0, s1;
	[sflag:s0] =	ssyncset.done @!p0 $0x0  }
0x6c: {  	[sflag:s0] =	ssyncadd.s32 @!p0 s1  }
0x6d: {  	[bflag:$0x3] =	sbarrier.arrive $0xFFFF  }
0x6e: {  	_ =	shalt  }

</sc_bundles>
